<compile_context>
chip_gen: v7x
topology: tpu7x:2x2x1
jax: 0.10.2.dev20260603
libtpu: 0.0.44.dev20260713+nightly
codegen_flags: <defaults>
</compile_context>

<pallas_src>
import functools

import jax
import jax.numpy as jnp
from jax import lax
from jax.experimental import pallas as pl
from jax.experimental.pallas import tpu as pltpu
from jax.experimental.pallas import tpu_sc as plsc

N = 10000
E = 320000
IN_CH = 128
HID_CH = 256
OUT_CH = 128

NC = 2
NS = 16
NPAD = 10240
K = 80
BLK = 2048
NBLK = -(-N // BLK)

_MESH = dict(core_axis_name="c", subcore_axis_name="s")


def _make_deg_kernel():
    epw = E // (NC * NS)
    nchunks = epw // K
    rows_pt = NPAD // NS

    @functools.partial(
        pl.kernel,
        out_type=jax.ShapeDtypeStruct((NC, NPAD), jnp.float32),
        mesh=plsc.VectorSubcoreMesh(**_MESH),
        scratch_types=[
            pltpu.VMEM((1, K), jnp.int32),
            pltpu.VMEM((K,), jnp.float32),
            pltpu.VMEM_SHARED((NPAD,), jnp.float32),
        ],
    )
    def deg_kernel(dst_hbm, zeros_hbm, out_hbm, idx_v, ones_v, hist_s):
        cid = lax.axis_index("c")
        sid = lax.axis_index("s")
        for i in range(K // 16):
            ones_v[pl.ds(i * 16, 16)] = jnp.full((16,), 1.0, jnp.float32)
        r0 = pl.multiple_of(sid * rows_pt, 8)
        pltpu.sync_copy(zeros_hbm.at[pl.ds(r0, rows_pt)],
                        hist_s.at[pl.ds(r0, rows_pt)])
        plsc.subcore_barrier()
        ebase = (cid * NS + sid) * epw

        def body(k, carry):
            off = pl.multiple_of(ebase + k * K, 8)
            pltpu.sync_copy(dst_hbm.at[pl.ds(off, K)], idx_v.at[0])
            pltpu.sync_copy(ones_v, hist_s.at[idx_v.at[0]], add=True)
            return carry

        lax.fori_loop(0, nchunks, body, 0)
        plsc.subcore_barrier()
        pltpu.sync_copy(hist_s.at[pl.ds(r0, rows_pt)],
                        out_hbm.at[cid, pl.ds(r0, rows_pt)])

    return deg_kernel


RPT = 624
RTAIL = N - NS * RPT


def _make_agg_kernel(half, edge_split):
    nworkers = NC * NS if edge_split else NS
    epw = E // nworkers
    nchunks = epw // K

    @functools.partial(
        pl.kernel,
        out_type=jax.ShapeDtypeStruct((2 * N, half), jnp.float32),
        mesh=plsc.VectorSubcoreMesh(**_MESH),
        scratch_types=[
            pltpu.VMEM((1, K), jnp.int32),
            pltpu.VMEM((1, K), jnp.int32),
            pltpu.VMEM((K, half), jnp.float32),
            pltpu.VMEM_SHARED((N, half), jnp.float32),
            pltpu.SemaphoreType.DMA,
        ],
    )
    def agg_kernel(hh_hbm, src_hbm, dst_hbm, out_hbm,
                   gi_v, di_v, rows_v, acc_s, sem):
        cid = lax.axis_index("c")
        sid = lax.axis_index("s")
        row0 = pl.multiple_of(sid * RPT, 8)
        obase = cid * N
        tbase = obase if not edge_split else 0

        pltpu.sync_copy(hh_hbm.at[pl.ds(tbase + row0, RPT)],
                        acc_s.at[pl.ds(row0, RPT)])

        @pl.when(sid == NS - 1)
        def _():
            r1 = pl.multiple_of(NS * RPT, 8)
            pltpu.sync_copy(hh_hbm.at[pl.ds(tbase + r1, RTAIL)],
                            acc_s.at[pl.ds(r1, RTAIL)])

        plsc.subcore_barrier()
        ebase = (cid * NS + sid) * epw if edge_split else sid * epw

        def body(k, carry):
            off = pl.multiple_of(ebase + k * K, 8)
            pltpu.sync_copy(src_hbm.at[pl.ds(off, K)], gi_v.at[0])
            pltpu.sync_copy(dst_hbm.at[pl.ds(off, K)], di_v.at[0])
            if not edge_split:
                for i in range(K // 16):
                    s = pl.ds(i * 16, 16)
                    gi_v[0, s] = gi_v[0, s] + tbase
            pltpu.async_copy(hh_hbm.at[gi_v.at[0]], rows_v, sem).wait()
            pltpu.sync_copy(rows_v, acc_s.at[di_v.at[0]], add=True)
            return carry

        lax.fori_loop(0, nchunks, body, 0)
        plsc.subcore_barrier()
        pltpu.sync_copy(acc_s.at[pl.ds(row0, RPT)],
                        out_hbm.at[pl.ds(obase + row0, RPT)])

        @pl.when(sid == NS - 1)
        def _():
            r1 = pl.multiple_of(NS * RPT, 8)
            pltpu.sync_copy(acc_s.at[pl.ds(r1, RTAIL)],
                            out_hbm.at[pl.ds(obase + r1, RTAIL)])

    return agg_kernel


def _deg_from_hist(hist_ref):
    i = pl.program_id(0)
    hs = hist_ref[:, pl.ds(pl.multiple_of(i * BLK, 128), BLK)]
    return lax.rsqrt(hs[0, :] + hs[1, :] + 1.0)


def _mm1_body(x_ref, w_ref, hist_ref, out_ref):
    d = _deg_from_hist(hist_ref)
    h = jnp.dot(x_ref[...], w_ref[...],
                preferred_element_type=jnp.float32,
                precision=lax.Precision.HIGHEST)
    out_ref[0] = h * d[:, None]


def _mm1(x, w1, hist):
    return pl.pallas_call(
        _mm1_body,
        grid=(NBLK, 2),
        in_specs=[
            pl.BlockSpec((BLK, IN_CH), lambda i, j: (i, 0)),
            pl.BlockSpec((IN_CH, HID_CH // 2), lambda i, j: (0, j)),
            pl.BlockSpec((NC, NPAD), lambda i, j: (0, 0)),
        ],
        out_specs=pl.BlockSpec((1, BLK, HID_CH // 2), lambda i, j: (j, i, 0)),
        out_shape=jax.ShapeDtypeStruct((NC, N, HID_CH // 2), jnp.float32),
    )(x, w1, hist)


def _mm2_body(sa_ref, sb_ref, hist_ref, b1_ref, w2_ref, out_ref):
    d = _deg_from_hist(hist_ref)[:, None]
    b1 = b1_ref[...]
    za = jax.nn.relu(sa_ref[0] * d + b1[None, :HID_CH // 2])
    zb = jax.nn.relu(sb_ref[0] * d + b1[None, HID_CH // 2:])
    w2 = w2_ref[...]
    h = (jnp.dot(za, w2[:HID_CH // 2, :], preferred_element_type=jnp.float32,
                 precision=lax.Precision.HIGHEST)
         + jnp.dot(zb, w2[HID_CH // 2:, :], preferred_element_type=jnp.float32,
                   precision=lax.Precision.HIGHEST))
    out_ref[...] = h * d


def _mm2(s1, hist, b1, w2):
    return pl.pallas_call(
        _mm2_body,
        grid=(NBLK,),
        in_specs=[
            pl.BlockSpec((1, BLK, HID_CH // 2), lambda i: (0, i, 0)),
            pl.BlockSpec((1, BLK, HID_CH // 2), lambda i: (1, i, 0)),
            pl.BlockSpec((NC, NPAD), lambda i: (0, 0)),
            pl.BlockSpec((HID_CH,), lambda i: (0,)),
            pl.BlockSpec((HID_CH, OUT_CH), lambda i: (0, 0)),
        ],
        out_specs=pl.BlockSpec((BLK, OUT_CH), lambda i: (i, 0)),
        out_shape=jax.ShapeDtypeStruct((N, OUT_CH), jnp.float32),
    )(s1, s1, hist, b1, w2)


def _fin_body(p0_ref, p1_ref, h2_ref, hist_ref, b2_ref, out_ref):
    d = _deg_from_hist(hist_ref)[:, None]
    s = p0_ref[0] + p1_ref[0] - h2_ref[...]
    out_ref[...] = s * d + b2_ref[...][None, :]


def _fin(s2, h2, hist, b2):
    return pl.pallas_call(
        _fin_body,
        grid=(NBLK,),
        in_specs=[
            pl.BlockSpec((1, BLK, OUT_CH), lambda i: (0, i, 0)),
            pl.BlockSpec((1, BLK, OUT_CH), lambda i: (1, i, 0)),
            pl.BlockSpec((BLK, OUT_CH), lambda i: (i, 0)),
            pl.BlockSpec((NC, NPAD), lambda i: (0, 0)),
            pl.BlockSpec((OUT_CH,), lambda i: (0,)),
        ],
        out_specs=pl.BlockSpec((BLK, OUT_CH), lambda i: (i, 0)),
        out_shape=jax.ShapeDtypeStruct((N, OUT_CH), jnp.float32),
    )(s2, s2, h2, hist, b2)


_deg_kernel = _make_deg_kernel()
_agg_hid = _make_agg_kernel(HID_CH // 2, edge_split=False)
_agg_out = _make_agg_kernel(OUT_CH, edge_split=True)


def kernel(x, edge_index, W1, b1, W2, b2):
    src = edge_index[0]
    dst = edge_index[1]
    zeros = jnp.zeros((NPAD,), jnp.float32)
    hist = _deg_kernel(dst, zeros)
    h1 = _mm1(x, W1, hist)
    s1 = _agg_hid(h1.reshape(2 * N, HID_CH // 2), src, dst)
    h2 = _mm2(s1.reshape(NC, N, HID_CH // 2), hist, b1, W2)
    s2 = _agg_out(h2, src, dst)
    return _fin(s2.reshape(NC, N, OUT_CH), h2, hist, b2)

# --- scband reference (transcript-rebuilt; emitter-appended) ---
"""Pipeline reference for scband-antenna-gnn-29841432773088 (READ-ONLY COPY).

The authoritative reference and input builder live on the scoring server;
editing this copy changes nothing except your own understanding.
"""

import jax, jax.numpy as jnp
import numpy as np

N = 10000
E = 320000
IN_CH = 128
HID_CH = 256
OUT_CH = 128


def setup_inputs(seed: int = 0) -> dict:
    key = jax.random.key(seed)
    k1, k2, k3, k4, k5, k6 = jax.random.split(key, 6)
    x = jax.random.normal(k1, (N, IN_CH), dtype=jnp.float32)
    edge_index = jax.random.randint(k2, (2, E), 0, N, dtype=jnp.int32)
    W1 = jax.random.normal(k3, (IN_CH, HID_CH), dtype=jnp.float32) * (1.0 / np.sqrt(IN_CH))
    b1 = jnp.zeros((HID_CH,), dtype=jnp.float32)
    W2 = jax.random.normal(k4, (HID_CH, OUT_CH), dtype=jnp.float32) * (1.0 / np.sqrt(HID_CH))
    b2 = jnp.zeros((OUT_CH,), dtype=jnp.float32)
    return {"x": x, "edge_index": edge_index, "W1": W1, "b1": b1, "W2": W2, "b2": b2}


def gcn_conv(x, edge_index, W, b):
    # Faithful PyG GCNConv: add self-loops, linear transform, symmetric norm, scatter-add aggregate.
    n = x.shape[0]
    loop = jnp.arange(n, dtype=edge_index.dtype)
    src = jnp.concatenate([edge_index[0], loop])
    dst = jnp.concatenate([edge_index[1], loop])
    h = x @ W
    ones = jnp.ones(dst.shape[0], dtype=h.dtype)
    deg = jax.ops.segment_sum(ones, dst, num_segments=n)
    deg_inv_sqrt = jnp.where(deg > 0, 1.0 / jnp.sqrt(deg), 0.0)
    norm = deg_inv_sqrt[src] * deg_inv_sqrt[dst]
    msg = h[src] * norm[:, None]
    agg = jax.ops.segment_sum(msg, dst, num_segments=n)
    return agg + b


def reference(x, edge_index, W1, b1, W2, b2):
    h = jax.nn.relu(gcn_conv(x, edge_index, W1, b1))
    return gcn_conv(h, edge_index, W2, b2)

if __name__ == "__main__":
    import jax
    _d = setup_inputs()
    print(jax.jit(kernel)(*tuple(_d.values())))

</pallas_src>

<mosaic_0001>
#map = affine_map<(d0, d1) -> (0, 0)>
#map1 = affine_map<(d0, d1) -> (0)>
module attributes {stable_mosaic.version = 14 : i64} {
  func.func @agg_kernel(%arg0: i32, %arg1: i32, %arg2: memref<20000x128xf32, #tpu.memory_space<hbm>>, %arg3: memref<320000xi32, #tpu.memory_space<hbm>>, %arg4: memref<320000xi32, #tpu.memory_space<hbm>>, %arg5: memref<20000x128xf32, #tpu.memory_space<hbm>>, %arg6: memref<1x80xi32, #tpu.memory_space<vmem>>, %arg7: memref<1x80xi32, #tpu.memory_space<vmem>>, %arg8: memref<80x128xf32, #tpu.memory_space<vmem>>, %arg9: memref<10000x128xf32, #tpu.memory_space<vmem_shared>>, %arg10: memref<!tpu.dma_semaphore, #tpu.memory_space<semaphore_mem>>) attributes {dimension_semantics = [#tpu.dimension_semantics<core_parallel>, #tpu.dimension_semantics<subcore_parallel>], iteration_bounds = array<i64: 2, 16>, scalar_prefetch = 0 : i64, scratch_operands = 5 : i64, tpu.core_type = #tpu.core_type<sc_vector_subcore>, window_params = [{transform_indices = #map}, {transform_indices = #map1}, {transform_indices = #map1}, {transform_indices = #map}]} {
    %mul3A = arith.constant 624 : i32
    %mul3A_0 = arith.muli %arg1, %mul3A : i32
    %multiple_of3A = tpu.assume_multiple %mul3A_0, 8 : i32
    %mul3A_1 = arith.constant 10000 : i32
    %mul3A_2 = arith.muli %arg0, %mul3A_1 : i32
    %add3A = arith.addi %mul3A_2, %multiple_of3A : i32
    "tpu.region"() ({
      %run_scoped3A = tpu.sem_alloc : memref<!tpu.dma_semaphore, #tpu.memory_space<semaphore_mem>>
      %dma_start3A = arith.constant 0 : i32
      %dma_start3A_19 = tpu.memref_slice %arg9[%multiple_of3A, %dma_start3A] : memref<10000x128xf32, #tpu.memory_space<vmem_shared>> -> memref<624x128xf32, #tpu.memory_space<vmem_shared>>
      %dma_start3A_20 = arith.constant 0 : i32
      %dma_start3A_21 = tpu.memref_slice %arg2[%add3A, %dma_start3A_20] : memref<20000x128xf32, #tpu.memory_space<hbm>> -> memref<624x128xf32, #tpu.memory_space<hbm>>
      tpu.enqueue_dma source(%dma_start3A_21 : memref<624x128xf32, #tpu.memory_space<hbm>>) target(%dma_start3A_19 : memref<624x128xf32, #tpu.memory_space<vmem_shared>>) target_semaphore(%run_scoped3A : memref<!tpu.dma_semaphore, #tpu.memory_space<semaphore_mem>>)
      %dma_wait3A = arith.constant 0 : i32
      %dma_wait3A_22 = tpu.memref_slice %arg9[%multiple_of3A, %dma_wait3A] : memref<10000x128xf32, #tpu.memory_space<vmem_shared>> -> memref<624x128xf32, #tpu.memory_space<vmem_shared>>
      %dma_wait3A_23 = arith.constant 0 : i32
      %dma_wait3A_24 = tpu.memref_slice %arg2[%add3A, %dma_wait3A_23] : memref<20000x128xf32, #tpu.memory_space<hbm>> -> memref<624x128xf32, #tpu.memory_space<hbm>>
      tpu.wait_dma2 semaphore(%run_scoped3A : memref<!tpu.dma_semaphore, #tpu.memory_space<semaphore_mem>>) src(%dma_wait3A_24 : memref<624x128xf32, #tpu.memory_space<hbm>>) dst(%dma_wait3A_22 : memref<624x128xf32, #tpu.memory_space<vmem_shared>>)
      tpu.yield
    }) : () -> ()
    %eq3A = arith.constant 15 : i32
    %eq3A_3 = arith.cmpi eq, %arg1, %eq3A : i32
    %convert_element_type3A = arith.extui %eq3A_3 : i1 to i32
    %cond3A = arith.constant 0 : i32
    %cond3A_4 = arith.cmpi ne, %convert_element_type3A, %cond3A : i32
    scf.if %cond3A_4 {
      %multiple_of3A_19 = arith.constant 9984 : i32
      %multiple_of3A_20 = tpu.assume_multiple %multiple_of3A_19, 8 : i32
      %add3A_21 = arith.addi %mul3A_2, %multiple_of3A_20 : i32
      "tpu.region"() ({
        %run_scoped3A = tpu.sem_alloc : memref<!tpu.dma_semaphore, #tpu.memory_space<semaphore_mem>>
        %dma_start3A = arith.constant 0 : i32
        %dma_start3A_22 = tpu.memref_slice %arg9[%multiple_of3A_20, %dma_start3A] : memref<10000x128xf32, #tpu.memory_space<vmem_shared>> -> memref<16x128xf32, #tpu.memory_space<vmem_shared>>
        %dma_start3A_23 = arith.constant 0 : i32
        %dma_start3A_24 = tpu.memref_slice %arg2[%add3A_21, %dma_start3A_23] : memref<20000x128xf32, #tpu.memory_space<hbm>> -> memref<16x128xf32, #tpu.memory_space<hbm>>
        tpu.enqueue_dma source(%dma_start3A_24 : memref<16x128xf32, #tpu.memory_space<hbm>>) target(%dma_start3A_22 : memref<16x128xf32, #tpu.memory_space<vmem_shared>>) target_semaphore(%run_scoped3A : memref<!tpu.dma_semaphore, #tpu.memory_space<semaphore_mem>>)
        %dma_wait3A = arith.constant 0 : i32
        %dma_wait3A_25 = tpu.memref_slice %arg9[%multiple_of3A_20, %dma_wait3A] : memref<10000x128xf32, #tpu.memory_space<vmem_shared>> -> memref<16x128xf32, #tpu.memory_space<vmem_shared>>
        %dma_wait3A_26 = arith.constant 0 : i32
        %dma_wait3A_27 = tpu.memref_slice %arg2[%add3A_21, %dma_wait3A_26] : memref<20000x128xf32, #tpu.memory_space<hbm>> -> memref<16x128xf32, #tpu.memory_space<hbm>>
        tpu.wait_dma2 semaphore(%run_scoped3A : memref<!tpu.dma_semaphore, #tpu.memory_space<semaphore_mem>>) src(%dma_wait3A_27 : memref<16x128xf32, #tpu.memory_space<hbm>>) dst(%dma_wait3A_25 : memref<16x128xf32, #tpu.memory_space<vmem_shared>>)
        tpu.yield
      }) : () -> ()
    } else {
    }
    %barrier3A = arith.constant 0 : index
    tpu.barrier barrier_id(%barrier3A)
    %mul3A_5 = arith.constant 20000 : i32
    %mul3A_6 = arith.muli %arg1, %mul3A_5 : i32
    %scan3A = arith.constant 0 : i32
    %scan3A_7 = arith.constant 0 : i32
    %scan3A_8 = arith.constant 250 : i32
    %scan3A_9 = arith.addi %scan3A_7, %scan3A_8 : i32
    %scan3A_10 = arith.constant 1 : i32
    scf.for %scan3A_19 = %scan3A_7 to %scan3A_9 step %scan3A_10  : i32 {
      %mul3A_20 = arith.constant 80 : i32
      %mul3A_21 = arith.muli %scan3A_19, %mul3A_20 : i32
      %add3A_22 = arith.addi %mul3A_6, %mul3A_21 : i32
      %multiple_of3A_23 = tpu.assume_multiple %add3A_22, 8 : i32
      %run_scoped3A = arith.constant 0 : i32
      "tpu.region"() ({
        %run_scoped3A_101 = tpu.sem_alloc : memref<!tpu.dma_semaphore, #tpu.memory_space<semaphore_mem>>
        %dma_start3A_102 = arith.constant 0 : i32
        %dma_start3A_103 = tpu.memref_slice %arg6[%run_scoped3A, %dma_start3A_102] : memref<1x80xi32, #tpu.memory_space<vmem>> -> memref<1x80xi32, #tpu.memory_space<vmem>>
        %dma_start3A_104 = tpu.memref_squeeze %dma_start3A_103 : memref<1x80xi32, #tpu.memory_space<vmem>> -> memref<80xi32, #tpu.memory_space<vmem>>
        %dma_start3A_105 = tpu.memref_slice %arg3[%multiple_of3A_23] : memref<320000xi32, #tpu.memory_space<hbm>> -> memref<80xi32, #tpu.memory_space<hbm>>
        %dma_start3A_106 = arith.constant 0 : i32
        %dma_start3A_107 = tpu.memref_slice %arg6[%run_scoped3A, %dma_start3A_106] : memref<1x80xi32, #tpu.memory_space<vmem>> -> memref<1x80xi32, #tpu.memory_space<vmem>>
        %dma_start3A_108 = tpu.memref_squeeze %dma_start3A_107 : memref<1x80xi32, #tpu.memory_space<vmem>> -> memref<80xi32, #tpu.memory_space<vmem>>
        %dma_start3A_109 = tpu.memref_slice %arg3[%multiple_of3A_23] : memref<320000xi32, #tpu.memory_space<hbm>> -> memref<80xi32, #tpu.memory_space<hbm>>
        tpu.enqueue_dma source(%dma_start3A_109 : memref<80xi32, #tpu.memory_space<hbm>>) target(%dma_start3A_108 : memref<80xi32, #tpu.memory_space<vmem>>) target_semaphore(%run_scoped3A_101 : memref<!tpu.dma_semaphore, #tpu.memory_space<semaphore_mem>>)
        %dma_wait3A_110 = arith.constant 0 : i32
        %dma_wait3A_111 = tpu.memref_slice %arg6[%run_scoped3A, %dma_wait3A_110] : memref<1x80xi32, #tpu.memory_space<vmem>> -> memref<1x80xi32, #tpu.memory_space<vmem>>
        %dma_wait3A_112 = tpu.memref_squeeze %dma_wait3A_111 : memref<1x80xi32, #tpu.memory_space<vmem>> -> memref<80xi32, #tpu.memory_space<vmem>>
        %dma_wait3A_113 = tpu.memref_slice %arg3[%multiple_of3A_23] : memref<320000xi32, #tpu.memory_space<hbm>> -> memref<80xi32, #tpu.memory_space<hbm>>
        %dma_wait3A_114 = arith.constant 0 : i32
        %dma_wait3A_115 = tpu.memref_slice %arg6[%run_scoped3A, %dma_wait3A_114] : memref<1x80xi32, #tpu.memory_space<vmem>> -> memref<1x80xi32, #tpu.memory_space<vmem>>
        %dma_wait3A_116 = tpu.memref_squeeze %dma_wait3A_115 : memref<1x80xi32, #tpu.memory_space<vmem>> -> memref<80xi32, #tpu.memory_space<vmem>>
        %dma_wait3A_117 = tpu.memref_slice %arg3[%multiple_of3A_23] : memref<320000xi32, #tpu.memory_space<hbm>> -> memref<80xi32, #tpu.memory_space<hbm>>
        tpu.wait_dma2 semaphore(%run_scoped3A_101 : memref<!tpu.dma_semaphore, #tpu.memory_space<semaphore_mem>>) src(%dma_wait3A_117 : memref<80xi32, #tpu.memory_space<hbm>>) dst(%dma_wait3A_116 : memref<80xi32, #tpu.memory_space<vmem>>)
        tpu.yield
      }) : () -> ()
      %run_scoped3A_24 = arith.constant 0 : i32
      "tpu.region"() ({
        %run_scoped3A_101 = tpu.sem_alloc : memref<!tpu.dma_semaphore, #tpu.memory_space<semaphore_mem>>
        %dma_start3A_102 = arith.constant 0 : i32
        %dma_start3A_103 = tpu.memref_slice %arg7[%run_scoped3A_24, %dma_start3A_102] : memref<1x80xi32, #tpu.memory_space<vmem>> -> memref<1x80xi32, #tpu.memory_space<vmem>>
        %dma_start3A_104 = tpu.memref_squeeze %dma_start3A_103 : memref<1x80xi32, #tpu.memory_space<vmem>> -> memref<80xi32, #tpu.memory_space<vmem>>
        %dma_start3A_105 = tpu.memref_slice %arg4[%multiple_of3A_23] : memref<320000xi32, #tpu.memory_space<hbm>> -> memref<80xi32, #tpu.memory_space<hbm>>
        %dma_start3A_106 = arith.constant 0 : i32
        %dma_start3A_107 = tpu.memref_slice %arg7[%run_scoped3A_24, %dma_start3A_106] : memref<1x80xi32, #tpu.memory_space<vmem>> -> memref<1x80xi32, #tpu.memory_space<vmem>>
        %dma_start3A_108 = tpu.memref_squeeze %dma_start3A_107 : memref<1x80xi32, #tpu.memory_space<vmem>> -> memref<80xi32, #tpu.memory_space<vmem>>
        %dma_start3A_109 = tpu.memref_slice %arg4[%multiple_of3A_23] : memref<320000xi32, #tpu.memory_space<hbm>> -> memref<80xi32, #tpu.memory_space<hbm>>
        tpu.enqueue_dma source(%dma_start3A_109 : memref<80xi32, #tpu.memory_space<hbm>>) target(%dma_start3A_108 : memref<80xi32, #tpu.memory_space<vmem>>) target_semaphore(%run_scoped3A_101 : memref<!tpu.dma_semaphore, #tpu.memory_space<semaphore_mem>>)
        %dma_wait3A_110 = arith.constant 0 : i32
        %dma_wait3A_111 = tpu.memref_slice %arg7[%run_scoped3A_24, %dma_wait3A_110] : memref<1x80xi32, #tpu.memory_space<vmem>> -> memref<1x80xi32, #tpu.memory_space<vmem>>
        %dma_wait3A_112 = tpu.memref_squeeze %dma_wait3A_111 : memref<1x80xi32, #tpu.memory_space<vmem>> -> memref<80xi32, #tpu.memory_space<vmem>>
        %dma_wait3A_113 = tpu.memref_slice %arg4[%multiple_of3A_23] : memref<320000xi32, #tpu.memory_space<hbm>> -> memref<80xi32, #tpu.memory_space<hbm>>
        %dma_wait3A_114 = arith.constant 0 : i32
        %dma_wait3A_115 = tpu.memref_slice %arg7[%run_scoped3A_24, %dma_wait3A_114] : memref<1x80xi32, #tpu.memory_space<vmem>> -> memref<1x80xi32, #tpu.memory_space<vmem>>
        %dma_wait3A_116 = tpu.memref_squeeze %dma_wait3A_115 : memref<1x80xi32, #tpu.memory_space<vmem>> -> memref<80xi32, #tpu.memory_space<vmem>>
        %dma_wait3A_117 = tpu.memref_slice %arg4[%multiple_of3A_23] : memref<320000xi32, #tpu.memory_space<hbm>> -> memref<80xi32, #tpu.memory_space<hbm>>
        tpu.wait_dma2 semaphore(%run_scoped3A_101 : memref<!tpu.dma_semaphore, #tpu.memory_space<semaphore_mem>>) src(%dma_wait3A_117 : memref<80xi32, #tpu.memory_space<hbm>>) dst(%dma_wait3A_116 : memref<80xi32, #tpu.memory_space<vmem>>)
        tpu.yield
      }) : () -> ()
      %get3A = arith.constant 0 : i32
      %get3A_25 = arith.index_cast %get3A : i32 to index
      %get3A_26 = arith.constant 0 : index
      %get3A_27 = tpu.vector_load %arg6[%get3A_25, %get3A_26] {strides = array<i32>} : memref<1x80xi32, #tpu.memory_space<vmem>>, vector<1x16xi32>,
      %get3A_28 = vector.shape_cast %get3A_27 : vector<1x16xi32> to vector<16xi32>
      %add3A_29 = vector.broadcast %mul3A_2 : i32 to vector<16xi32>
      %add3A_30 = arith.addi %get3A_28, %add3A_29 : vector<16xi32>
      %swap3A = arith.constant 0 : i32
      %swap3A_31 = arith.index_cast %swap3A : i32 to index
      %swap3A_32 = arith.constant 0 : index
      %swap3A_33 = tpu.vector_load %arg6[%swap3A_31, %swap3A_32] {strides = array<i32>} : memref<1x80xi32, #tpu.memory_space<vmem>>, vector<1x16xi32>,
      %swap3A_34 = vector.shape_cast %swap3A_33 : vector<1x16xi32> to vector<16xi32>
      %swap3A_35 = vector.shape_cast %add3A_30 : vector<16xi32> to vector<1x16xi32>
      tpu.vector_store %arg6[%swap3A_31, %swap3A_32], %swap3A_35 {strides = array<i32>} : memref<1x80xi32, #tpu.memory_space<vmem>>, vector<1x16xi32>,
      %get3A_36 = arith.constant 0 : i32
      %get3A_37 = arith.index_cast %get3A_36 : i32 to index
      %get3A_38 = arith.constant 16 : index
      %get3A_39 = tpu.vector_load %arg6[%get3A_37, %get3A_38] {strides = array<i32>} : memref<1x80xi32, #tpu.memory_space<vmem>>, vector<1x16xi32>,
      %get3A_40 = vector.shape_cast %get3A_39 : vector<1x16xi32> to vector<16xi32>
      %add3A_41 = vector.broadcast %mul3A_2 : i32 to vector<16xi32>
      %add3A_42 = arith.addi %get3A_40, %add3A_41 : vector<16xi32>
      %swap3A_43 = arith.constant 0 : i32
      %swap3A_44 = arith.index_cast %swap3A_43 : i32 to index
      %swap3A_45 = arith.constant 16 : index
      %swap3A_46 = tpu.vector_load %arg6[%swap3A_44, %swap3A_45] {strides = array<i32>} : memref<1x80xi32, #tpu.memory_space<vmem>>, vector<1x16xi32>,
      %swap3A_47 = vector.shape_cast %swap3A_46 : vector<1x16xi32> to vector<16xi32>
      %swap3A_48 = vector.shape_cast %add3A_42 : vector<16xi32> to vector<1x16xi32>
      tpu.vector_store %arg6[%swap3A_44, %swap3A_45], %swap3A_48 {strides = array<i32>} : memref<1x80xi32, #tpu.memory_space<vmem>>, vector<1x16xi32>,
      %get3A_49 = arith.constant 0 : i32
      %get3A_50 = arith.index_cast %get3A_49 : i32 to index
      %get3A_51 = arith.constant 32 : index
      %get3A_52 = tpu.vector_load %arg6[%get3A_50, %get3A_51] {strides = array<i32>} : memref<1x80xi32, #tpu.memory_space<vmem>>, vector<1x16xi32>,
      %get3A_53 = vector.shape_cast %get3A_52 : vector<1x16xi32> to vector<16xi32>
      %add3A_54 = vector.broadcast %mul3A_2 : i32 to vector<16xi32>
      %add3A_55 = arith.addi %get3A_53, %add3A_54 : vector<16xi32>
      %swap3A_56 = arith.constant 0 : i32
      %swap3A_57 = arith.index_cast %swap3A_56 : i32 to index
      %swap3A_58 = arith.constant 32 : index
      %swap3A_59 = tpu.vector_load %arg6[%swap3A_57, %swap3A_58] {strides = array<i32>} : memref<1x80xi32, #tpu.memory_space<vmem>>, vector<1x16xi32>,
      %swap3A_60 = vector.shape_cast %swap3A_59 : vector<1x16xi32> to vector<16xi32>
      %swap3A_61 = vector.shape_cast %add3A_55 : vector<16xi32> to vector<1x16xi32>
      tpu.vector_store %arg6[%swap3A_57, %swap3A_58], %swap3A_61 {strides = array<i32>} : memref<1x80xi32, #tpu.memory_space<vmem>>, vector<1x16xi32>,
      %get3A_62 = arith.constant 0 : i32
      %get3A_63 = arith.index_cast %get3A_62 : i32 to index
      %get3A_64 = arith.constant 48 : index
      %get3A_65 = tpu.vector_load %arg6[%get3A_63, %get3A_64] {strides = array<i32>} : memref<1x80xi32, #tpu.memory_space<vmem>>, vector<1x16xi32>,
      %get3A_66 = vector.shape_cast %get3A_65 : vector<1x16xi32> to vector<16xi32>
      %add3A_67 = vector.broadcast %mul3A_2 : i32 to vector<16xi32>
      %add3A_68 = arith.addi %get3A_66, %add3A_67 : vector<16xi32>
      %swap3A_69 = arith.constant 0 : i32
      %swap3A_70 = arith.index_cast %swap3A_69 : i32 to index
      %swap3A_71 = arith.constant 48 : index
      %swap3A_72 = tpu.vector_load %arg6[%swap3A_70, %swap3A_71] {strides = array<i32>} : memref<1x80xi32, #tpu.memory_space<vmem>>, vector<1x16xi32>,
      %swap3A_73 = vector.shape_cast %swap3A_72 : vector<1x16xi32> to vector<16xi32>
      %swap3A_74 = vector.shape_cast %add3A_68 : vector<16xi32> to vector<1x16xi32>
      tpu.vector_store %arg6[%swap3A_70, %swap3A_71], %swap3A_74 {strides = array<i32>} : memref<1x80xi32, #tpu.memory_space<vmem>>, vector<1x16xi32>,
      %get3A_75 = arith.constant 0 : i32
      %get3A_76 = arith.index_cast %get3A_75 : i32 to index
      %get3A_77 = arith.constant 64 : index
      %get3A_78 = tpu.vector_load %arg6[%get3A_76, %get3A_77] {strides = array<i32>} : memref<1x80xi32, #tpu.memory_space<vmem>>, vector<1x16xi32>,
      %get3A_79 = vector.shape_cast %get3A_78 : vector<1x16xi32> to vector<16xi32>
      %add3A_80 = vector.broadcast %mul3A_2 : i32 to vector<16xi32>
      %add3A_81 = arith.addi %get3A_79, %add3A_80 : vector<16xi32>
      %swap3A_82 = arith.constant 0 : i32
      %swap3A_83 = arith.index_cast %swap3A_82 : i32 to index
      %swap3A_84 = arith.constant 64 : index
      %swap3A_85 = tpu.vector_load %arg6[%swap3A_83, %swap3A_84] {strides = array<i32>} : memref<1x80xi32, #tpu.memory_space<vmem>>, vector<1x16xi32>,
      %swap3A_86 = vector.shape_cast %swap3A_85 : vector<1x16xi32> to vector<16xi32>
      %swap3A_87 = vector.shape_cast %add3A_81 : vector<16xi32> to vector<1x16xi32>
      tpu.vector_store %arg6[%swap3A_83, %swap3A_84], %swap3A_87 {strides = array<i32>} : memref<1x80xi32, #tpu.memory_space<vmem>>, vector<1x16xi32>,
      %dma_start3A = arith.constant 0 : i32
      %dma_start3A_88 = arith.constant 0 : i32
      %dma_start3A_89 = tpu.memref_slice %arg6[%dma_start3A, %dma_start3A_88] : memref<1x80xi32, #tpu.memory_space<vmem>> -> memref<1x80xi32, #tpu.memory_space<vmem>>
      %dma_start3A_90 = tpu.memref_squeeze %dma_start3A_89 : memref<1x80xi32, #tpu.memory_space<vmem>> -> memref<80xi32, #tpu.memory_space<vmem>>
      %dma_start3A_91 = arith.constant 0 : i32
      %dma_start3A_92 = arith.constant 0 : i32
      %dma_start3A_93 = tpu.memref_slice %arg2[%dma_start3A_91, %dma_start3A_92] : memref<20000x128xf32, #tpu.memory_space<hbm>> -> memref<20000x128xf32, #tpu.memory_space<hbm>>
      tpu.enqueue_indirect_dma source(%dma_start3A_93 : memref<20000x128xf32, #tpu.memory_space<hbm>>) target(%arg8 : memref<80x128xf32, #tpu.memory_space<vmem>>) offsets(%dma_start3A_90 : memref<80xi32, #tpu.memory_space<vmem>>) semaphore(%arg10 : memref<!tpu.dma_semaphore, #tpu.memory_space<semaphore_mem>>)
      %dma_wait3A = arith.constant 0 : i32
      %dma_wait3A_94 = arith.constant 0 : i32
      %dma_wait3A_95 = tpu.memref_slice %arg6[%dma_wait3A, %dma_wait3A_94] : memref<1x80xi32, #tpu.memory_space<vmem>> -> memref<1x80xi32, #tpu.memory_space<vmem>>
      %dma_wait3A_96 = tpu.memref_squeeze %dma_wait3A_95 : memref<1x80xi32, #tpu.memory_space<vmem>> -> memref<80xi32, #tpu.memory_space<vmem>>
      %dma_wait3A_97 = arith.constant 0 : i32
      %dma_wait3A_98 = arith.constant 0 : i32
      %dma_wait3A_99 = tpu.memref_slice %arg2[%dma_wait3A_97, %dma_wait3A_98] : memref<20000x128xf32, #tpu.memory_space<hbm>> -> memref<20000x128xf32, #tpu.memory_space<hbm>>
      tpu.wait_indirect_dma semaphore(%arg10 : memref<!tpu.dma_semaphore, #tpu.memory_space<semaphore_mem>>) src(%dma_wait3A_99 : memref<20000x128xf32, #tpu.memory_space<hbm>>) dst(%arg8 : memref<80x128xf32, #tpu.memory_space<vmem>>)
      %run_scoped3A_100 = arith.constant 0 : i32
      "tpu.region"() ({
        %run_scoped3A_101 = tpu.sem_alloc : memref<!tpu.dma_semaphore, #tpu.memory_space<semaphore_mem>>
        %dma_start3A_102 = arith.constant 0 : i32
        %dma_start3A_103 = tpu.memref_slice %arg7[%run_scoped3A_100, %dma_start3A_102] : memref<1x80xi32, #tpu.memory_space<vmem>> -> memref<1x80xi32, #tpu.memory_space<vmem>>
        %dma_start3A_104 = tpu.memref_squeeze %dma_start3A_103 : memref<1x80xi32, #tpu.memory_space<vmem>> -> memref<80xi32, #tpu.memory_space<vmem>>
        %dma_start3A_105 = arith.constant 0 : i32
        %dma_start3A_106 = arith.constant 0 : i32
        %dma_start3A_107 = tpu.memref_slice %arg9[%dma_start3A_105, %dma_start3A_106] : memref<10000x128xf32, #tpu.memory_space<vmem_shared>> -> memref<10000x128xf32, #tpu.memory_space<vmem_shared>>
        tpu.enqueue_indirect_dma source(%arg8 : memref<80x128xf32, #tpu.memory_space<vmem>>) target(%dma_start3A_107 : memref<10000x128xf32, #tpu.memory_space<vmem_shared>>) offsets(%dma_start3A_104 : memref<80xi32, #tpu.memory_space<vmem>>) semaphore(%run_scoped3A_101 : memref<!tpu.dma_semaphore, #tpu.memory_space<semaphore_mem>>) {add = true}
        %dma_wait3A_108 = arith.constant 0 : i32
        %dma_wait3A_109 = tpu.memref_slice %arg7[%run_scoped3A_100, %dma_wait3A_108] : memref<1x80xi32, #tpu.memory_space<vmem>> -> memref<1x80xi32, #tpu.memory_space<vmem>>
        %dma_wait3A_110 = tpu.memref_squeeze %dma_wait3A_109 : memref<1x80xi32, #tpu.memory_space<vmem>> -> memref<80xi32, #tpu.memory_space<vmem>>
        %dma_wait3A_111 = arith.constant 0 : i32
        %dma_wait3A_112 = arith.constant 0 : i32
        %dma_wait3A_113 = tpu.memref_slice %arg9[%dma_wait3A_111, %dma_wait3A_112] : memref<10000x128xf32, #tpu.memory_space<vmem_shared>> -> memref<10000x128xf32, #tpu.memory_space<vmem_shared>>
        tpu.wait_indirect_dma semaphore(%run_scoped3A_101 : memref<!tpu.dma_semaphore, #tpu.memory_space<semaphore_mem>>) src(%arg8 : memref<80x128xf32, #tpu.memory_space<vmem>>) dst(%dma_wait3A_113 : memref<10000x128xf32, #tpu.memory_space<vmem_shared>>)
        tpu.yield
      }) : () -> ()
    }
    %scan3A_11 = arith.constant 250 : i32
    %barrier3A_12 = arith.constant 0 : index
    tpu.barrier barrier_id(%barrier3A_12)
    %add3A_13 = arith.addi %mul3A_2, %multiple_of3A : i32
    "tpu.region"() ({
      %run_scoped3A = tpu.sem_alloc : memref<!tpu.dma_semaphore, #tpu.memory_space<semaphore_mem>>
      %dma_start3A = arith.constant 0 : i32
      %dma_start3A_19 = tpu.memref_slice %arg5[%add3A_13, %dma_start3A] : memref<20000x128xf32, #tpu.memory_space<hbm>> -> memref<624x128xf32, #tpu.memory_space<hbm>>
      %dma_start3A_20 = arith.constant 0 : i32
      %dma_start3A_21 = tpu.memref_slice %arg9[%multiple_of3A, %dma_start3A_20] : memref<10000x128xf32, #tpu.memory_space<vmem_shared>> -> memref<624x128xf32, #tpu.memory_space<vmem_shared>>
      tpu.enqueue_dma source(%dma_start3A_21 : memref<624x128xf32, #tpu.memory_space<vmem_shared>>) target(%dma_start3A_19 : memref<624x128xf32, #tpu.memory_space<hbm>>) target_semaphore(%run_scoped3A : memref<!tpu.dma_semaphore, #tpu.memory_space<semaphore_mem>>)
      %dma_wait3A = arith.constant 0 : i32
      %dma_wait3A_22 = tpu.memref_slice %arg5[%add3A_13, %dma_wait3A] : memref<20000x128xf32, #tpu.memory_space<hbm>> -> memref<624x128xf32, #tpu.memory_space<hbm>>
      %dma_wait3A_23 = arith.constant 0 : i32
      %dma_wait3A_24 = tpu.memref_slice %arg9[%multiple_of3A, %dma_wait3A_23] : memref<10000x128xf32, #tpu.memory_space<vmem_shared>> -> memref<624x128xf32, #tpu.memory_space<vmem_shared>>
      tpu.wait_dma2 semaphore(%run_scoped3A : memref<!tpu.dma_semaphore, #tpu.memory_space<semaphore_mem>>) src(%dma_wait3A_24 : memref<624x128xf32, #tpu.memory_space<vmem_shared>>) dst(%dma_wait3A_22 : memref<624x128xf32, #tpu.memory_space<hbm>>)
      tpu.yield
    }) : () -> ()
    %eq3A_14 = arith.constant 15 : i32
    %eq3A_15 = arith.cmpi eq, %arg1, %eq3A_14 : i32
    %convert_element_type3A_16 = arith.extui %eq3A_15 : i1 to i32
    %cond3A_17 = arith.constant 0 : i32
    %cond3A_18 = arith.cmpi ne, %convert_element_type3A_16, %cond3A_17 : i32
    scf.if %cond3A_18 {
      %multiple_of3A_19 = arith.constant 9984 : i32
      %multiple_of3A_20 = tpu.assume_multiple %multiple_of3A_19, 8 : i32
      %add3A_21 = arith.addi %mul3A_2, %multiple_of3A_20 : i32
      "tpu.region"() ({
        %run_scoped3A = tpu.sem_alloc : memref<!tpu.dma_semaphore, #tpu.memory_space<semaphore_mem>>
        %dma_start3A = arith.constant 0 : i32
        %dma_start3A_22 = tpu.memref_slice %arg5[%add3A_21, %dma_start3A] : memref<20000x128xf32, #tpu.memory_space<hbm>> -> memref<16x128xf32, #tpu.memory_space<hbm>>
        %dma_start3A_23 = arith.constant 0 : i32
        %dma_start3A_24 = tpu.memref_slice %arg9[%multiple_of3A_20, %dma_start3A_23] : memref<10000x128xf32, #tpu.memory_space<vmem_shared>> -> memref<16x128xf32, #tpu.memory_space<vmem_shared>>
        tpu.enqueue_dma source(%dma_start3A_24 : memref<16x128xf32, #tpu.memory_space<vmem_shared>>) target(%dma_start3A_22 : memref<16x128xf32, #tpu.memory_space<hbm>>) target_semaphore(%run_scoped3A : memref<!tpu.dma_semaphore, #tpu.memory_space<semaphore_mem>>)
        %dma_wait3A = arith.constant 0 : i32
        %dma_wait3A_25 = tpu.memref_slice %arg5[%add3A_21, %dma_wait3A] : memref<20000x128xf32, #tpu.memory_space<hbm>> -> memref<16x128xf32, #tpu.memory_space<hbm>>
        %dma_wait3A_26 = arith.constant 0 : i32
        %dma_wait3A_27 = tpu.memref_slice %arg9[%multiple_of3A_20, %dma_wait3A_26] : memref<10000x128xf32, #tpu.memory_space<vmem_shared>> -> memref<16x128xf32, #tpu.memory_space<vmem_shared>>
        tpu.wait_dma2 semaphore(%run_scoped3A : memref<!tpu.dma_semaphore, #tpu.memory_space<semaphore_mem>>) src(%dma_wait3A_27 : memref<16x128xf32, #tpu.memory_space<vmem_shared>>) dst(%dma_wait3A_25 : memref<16x128xf32, #tpu.memory_space<hbm>>)
        tpu.yield
      }) : () -> ()
    } else {
    }
    return
  }
}

#map = affine_map<(d0, d1) -> (0)>
#map1 = affine_map<(d0, d1) -> (0, 0)>
module attributes {stable_mosaic.version = 14 : i64} {
  func.func @deg_kernel(%arg0: i32, %arg1: i32, %arg2: memref<320000xi32, #tpu.memory_space<hbm>>, %arg3: memref<10240xf32, #tpu.memory_space<hbm>>, %arg4: memref<2x10240xf32, #tpu.memory_space<hbm>>, %arg5: memref<1x80xi32, #tpu.memory_space<vmem>>, %arg6: memref<80xf32, #tpu.memory_space<vmem>>, %arg7: memref<10240xf32, #tpu.memory_space<vmem_shared>>) attributes {dimension_semantics = [#tpu.dimension_semantics<core_parallel>, #tpu.dimension_semantics<subcore_parallel>], iteration_bounds = array<i64: 2, 16>, scalar_prefetch = 0 : i64, scratch_operands = 3 : i64, tpu.core_type = #tpu.core_type<sc_vector_subcore>, window_params = [{transform_indices = #map}, {transform_indices = #map}, {transform_indices = #map1}]} {
    %broadcast_in_dim3A = arith.constant 1.000000e+00 : f32
    %broadcast_in_dim3A_0 = vector.broadcast %broadcast_in_dim3A : f32 to vector<16xf32>
    %swap3A = arith.constant 0 : index
    %swap3A_1 = tpu.vector_load %arg6[%swap3A] {strides = array<i32>} : memref<80xf32, #tpu.memory_space<vmem>>, vector<16xf32>,
    %swap3A_2 = vector.shape_cast %swap3A_1 : vector<16xf32> to vector<16xf32>
    %swap3A_3 = vector.shape_cast %broadcast_in_dim3A_0 : vector<16xf32> to vector<16xf32>
    tpu.vector_store %arg6[%swap3A], %swap3A_3 {strides = array<i32>} : memref<80xf32, #tpu.memory_space<vmem>>, vector<16xf32>,
    %broadcast_in_dim3A_4 = arith.constant 1.000000e+00 : f32
    %broadcast_in_dim3A_5 = vector.broadcast %broadcast_in_dim3A_4 : f32 to vector<16xf32>
    %swap3A_6 = arith.constant 16 : index
    %swap3A_7 = tpu.vector_load %arg6[%swap3A_6] {strides = array<i32>} : memref<80xf32, #tpu.memory_space<vmem>>, vector<16xf32>,
    %swap3A_8 = vector.shape_cast %swap3A_7 : vector<16xf32> to vector<16xf32>
    %swap3A_9 = vector.shape_cast %broadcast_in_dim3A_5 : vector<16xf32> to vector<16xf32>
    tpu.vector_store %arg6[%swap3A_6], %swap3A_9 {strides = array<i32>} : memref<80xf32, #tpu.memory_space<vmem>>, vector<16xf32>,
    %broadcast_in_dim3A_10 = arith.constant 1.000000e+00 : f32
    %broadcast_in_dim3A_11 = vector.broadcast %broadcast_in_dim3A_10 : f32 to vector<16xf32>
    %swap3A_12 = arith.constant 32 : index
    %swap3A_13 = tpu.vector_load %arg6[%swap3A_12] {strides = array<i32>} : memref<80xf32, #tpu.memory_space<vmem>>, vector<16xf32>,
    %swap3A_14 = vector.shape_cast %swap3A_13 : vector<16xf32> to vector<16xf32>
    %swap3A_15 = vector.shape_cast %broadcast_in_dim3A_11 : vector<16xf32> to vector<16xf32>
    tpu.vector_store %arg6[%swap3A_12], %swap3A_15 {strides = array<i32>} : memref<80xf32, #tpu.memory_space<vmem>>, vector<16xf32>,
    %broadcast_in_dim3A_16 = arith.constant 1.000000e+00 : f32
    %broadcast_in_dim3A_17 = vector.broadcast %broadcast_in_dim3A_16 : f32 to vector<16xf32>
    %swap3A_18 = arith.constant 48 : index
    %swap3A_19 = tpu.vector_load %arg6[%swap3A_18] {strides = array<i32>} : memref<80xf32, #tpu.memory_space<vmem>>, vector<16xf32>,
    %swap3A_20 = vector.shape_cast %swap3A_19 : vector<16xf32> to vector<16xf32>
    %swap3A_21 = vector.shape_cast %broadcast_in_dim3A_17 : vector<16xf32> to vector<16xf32>
    tpu.vector_store %arg6[%swap3A_18], %swap3A_21 {strides = array<i32>} : memref<80xf32, #tpu.memory_space<vmem>>, vector<16xf32>,
    %broadcast_in_dim3A_22 = arith.constant 1.000000e+00 : f32
    %broadcast_in_dim3A_23 = vector.broadcast %broadcast_in_dim3A_22 : f32 to vector<16xf32>
    %swap3A_24 = arith.constant 64 : index
    %swap3A_25 = tpu.vector_load %arg6[%swap3A_24] {strides = array<i32>} : memref<80xf32, #tpu.memory_space<vmem>>, vector<16xf32>,
    %swap3A_26 = vector.shape_cast %swap3A_25 : vector<16xf32> to vector<16xf32>
    %swap3A_27 = vector.shape_cast %broadcast_in_dim3A_23 : vector<16xf32> to vector<16xf32>
    tpu.vector_store %arg6[%swap3A_24], %swap3A_27 {strides = array<i32>} : memref<80xf32, #tpu.memory_space<vmem>>, vector<16xf32>,
    %mul3A = arith.constant 640 : i32
    %mul3A_28 = arith.muli %arg1, %mul3A : i32
    %multiple_of3A = tpu.assume_multiple %mul3A_28, 8 : i32
    "tpu.region"() ({
      %run_scoped3A = tpu.sem_alloc : memref<!tpu.dma_semaphore, #tpu.memory_space<semaphore_mem>>
      %dma_start3A = tpu.memref_slice %arg7[%multiple_of3A] : memref<10240xf32, #tpu.memory_space<vmem_shared>> -> memref<640xf32, #tpu.memory_space<vmem_shared>>
      %dma_start3A_39 = tpu.memref_slice %arg3[%multiple_of3A] : memref<10240xf32, #tpu.memory_space<hbm>> -> memref<640xf32, #tpu.memory_space<hbm>>
      tpu.enqueue_dma source(%dma_start3A_39 : memref<640xf32, #tpu.memory_space<hbm>>) target(%dma_start3A : memref<640xf32, #tpu.memory_space<vmem_shared>>) target_semaphore(%run_scoped3A : memref<!tpu.dma_semaphore, #tpu.memory_space<semaphore_mem>>)
      %dma_wait3A = tpu.memref_slice %arg7[%multiple_of3A] : memref<10240xf32, #tpu.memory_space<vmem_shared>> -> memref<640xf32, #tpu.memory_space<vmem_shared>>
      %dma_wait3A_40 = tpu.memref_slice %arg3[%multiple_of3A] : memref<10240xf32, #tpu.memory_space<hbm>> -> memref<640xf32, #tpu.memory_space<hbm>>
      tpu.wait_dma2 semaphore(%run_scoped3A : memref<!tpu.dma_semaphore, #tpu.memory_space<semaphore_mem>>) src(%dma_wait3A_40 : memref<640xf32, #tpu.memory_space<hbm>>) dst(%dma_wait3A : memref<640xf32, #tpu.memory_space<vmem_shared>>)
      tpu.yield
    }) : () -> ()
    %barrier3A = arith.constant 0 : index
    tpu.barrier barrier_id(%barrier3A)
    %mul3A_29 = arith.constant 16 : i32
    %mul3A_30 = arith.muli %arg0, %mul3A_29 : i32
    %add3A = arith.addi %mul3A_30, %arg1 : i32
    %mul3A_31 = arith.constant 10000 : i32
    %mul3A_32 = arith.muli %add3A, %mul3A_31 : i32
    %scan3A = arith.constant 0 : i32
    %scan3A_33 = arith.constant 0 : i32
    %scan3A_34 = arith.constant 125 : i32
    %scan3A_35 = arith.addi %scan3A_33, %scan3A_34 : i32
    %scan3A_36 = arith.constant 1 : i32
    scf.for %scan3A_39 = %scan3A_33 to %scan3A_35 step %scan3A_36  : i32 {
      %mul3A_40 = arith.constant 80 : i32
      %mul3A_41 = arith.muli %scan3A_39, %mul3A_40 : i32
      %add3A_42 = arith.addi %mul3A_32, %mul3A_41 : i32
      %multiple_of3A_43 = tpu.assume_multiple %add3A_42, 8 : i32
      %run_scoped3A = arith.constant 0 : i32
      "tpu.region"() ({
        %run_scoped3A_45 = tpu.sem_alloc : memref<!tpu.dma_semaphore, #tpu.memory_space<semaphore_mem>>
        %dma_start3A = arith.constant 0 : i32
        %dma_start3A_46 = tpu.memref_slice %arg5[%run_scoped3A, %dma_start3A] : memref<1x80xi32, #tpu.memory_space<vmem>> -> memref<1x80xi32, #tpu.memory_space<vmem>>
        %dma_start3A_47 = tpu.memref_squeeze %dma_start3A_46 : memref<1x80xi32, #tpu.memory_space<vmem>> -> memref<80xi32, #tpu.memory_space<vmem>>
        %dma_start3A_48 = tpu.memref_slice %arg2[%multiple_of3A_43] : memref<320000xi32, #tpu.memory_space<hbm>> -> memref<80xi32, #tpu.memory_space<hbm>>
        %dma_start3A_49 = arith.constant 0 : i32
        %dma_start3A_50 = tpu.memref_slice %arg5[%run_scoped3A, %dma_start3A_49] : memref<1x80xi32, #tpu.memory_space<vmem>> -> memref<1x80xi32, #tpu.memory_space<vmem>>
        %dma_start3A_51 = tpu.memref_squeeze %dma_start3A_50 : memref<1x80xi32, #tpu.memory_space<vmem>> -> memref<80xi32, #tpu.memory_space<vmem>>
        %dma_start3A_52 = tpu.memref_slice %arg2[%multiple_of3A_43] : memref<320000xi32, #tpu.memory_space<hbm>> -> memref<80xi32, #tpu.memory_space<hbm>>
        tpu.enqueue_dma source(%dma_start3A_52 : memref<80xi32, #tpu.memory_space<hbm>>) target(%dma_start3A_51 : memref<80xi32, #tpu.memory_space<vmem>>) target_semaphore(%run_scoped3A_45 : memref<!tpu.dma_semaphore, #tpu.memory_space<semaphore_mem>>)
        %dma_wait3A = arith.constant 0 : i32
        %dma_wait3A_53 = tpu.memref_slice %arg5[%run_scoped3A, %dma_wait3A] : memref<1x80xi32, #tpu.memory_space<vmem>> -> memref<1x80xi32, #tpu.memory_space<vmem>>
        %dma_wait3A_54 = tpu.memref_squeeze %dma_wait3A_53 : memref<1x80xi32, #tpu.memory_space<vmem>> -> memref<80xi32, #tpu.memory_space<vmem>>
        %dma_wait3A_55 = tpu.memref_slice %arg2[%multiple_of3A_43] : memref<320000xi32, #tpu.memory_space<hbm>> -> memref<80xi32, #tpu.memory_space<hbm>>
        %dma_wait3A_56 = arith.constant 0 : i32
        %dma_wait3A_57 = tpu.memref_slice %arg5[%run_scoped3A, %dma_wait3A_56] : memref<1x80xi32, #tpu.memory_space<vmem>> -> memref<1x80xi32, #tpu.memory_space<vmem>>
        %dma_wait3A_58 = tpu.memref_squeeze %dma_wait3A_57 : memref<1x80xi32, #tpu.memory_space<vmem>> -> memref<80xi32, #tpu.memory_space<vmem>>
        %dma_wait3A_59 = tpu.memref_slice %arg2[%multiple_of3A_43] : memref<320000xi32, #tpu.memory_space<hbm>> -> memref<80xi32, #tpu.memory_space<hbm>>
        tpu.wait_dma2 semaphore(%run_scoped3A_45 : memref<!tpu.dma_semaphore, #tpu.memory_space<semaphore_mem>>) src(%dma_wait3A_59 : memref<80xi32, #tpu.memory_space<hbm>>) dst(%dma_wait3A_58 : memref<80xi32, #tpu.memory_space<vmem>>)
        tpu.yield
      }) : () -> ()
      %run_scoped3A_44 = arith.constant 0 : i32
      "tpu.region"() ({
        %run_scoped3A_45 = tpu.sem_alloc : memref<!tpu.dma_semaphore, #tpu.memory_space<semaphore_mem>>
        %dma_start3A = arith.constant 0 : i32
        %dma_start3A_46 = tpu.memref_slice %arg5[%run_scoped3A_44, %dma_start3A] : memref<1x80xi32, #tpu.memory_space<vmem>> -> memref<1x80xi32, #tpu.memory_space<vmem>>
        %dma_start3A_47 = tpu.memref_squeeze %dma_start3A_46 : memref<1x80xi32, #tpu.memory_space<vmem>> -> memref<80xi32, #tpu.memory_space<vmem>>
        %dma_start3A_48 = arith.constant 0 : i32
        %dma_start3A_49 = tpu.memref_slice %arg7[%dma_start3A_48] : memref<10240xf32, #tpu.memory_space<vmem_shared>> -> memref<10240xf32, #tpu.memory_space<vmem_shared>>
        tpu.enqueue_indirect_dma source(%arg6 : memref<80xf32, #tpu.memory_space<vmem>>) target(%dma_start3A_49 : memref<10240xf32, #tpu.memory_space<vmem_shared>>) offsets(%dma_start3A_47 : memref<80xi32, #tpu.memory_space<vmem>>) semaphore(%run_scoped3A_45 : memref<!tpu.dma_semaphore, #tpu.memory_space<semaphore_mem>>) {add = true}
        %dma_wait3A = arith.constant 0 : i32
        %dma_wait3A_50 = tpu.memref_slice %arg5[%run_scoped3A_44, %dma_wait3A] : memref<1x80xi32, #tpu.memory_space<vmem>> -> memref<1x80xi32, #tpu.memory_space<vmem>>
        %dma_wait3A_51 = tpu.memref_squeeze %dma_wait3A_50 : memref<1x80xi32, #tpu.memory_space<vmem>> -> memref<80xi32, #tpu.memory_space<vmem>>
        %dma_wait3A_52 = arith.constant 0 : i32
        %dma_wait3A_53 = tpu.memref_slice %arg7[%dma_wait3A_52] : memref<10240xf32, #tpu.memory_space<vmem_shared>> -> memref<10240xf32, #tpu.memory_space<vmem_shared>>
        tpu.wait_indirect_dma semaphore(%run_scoped3A_45 : memref<!tpu.dma_semaphore, #tpu.memory_space<semaphore_mem>>) src(%arg6 : memref<80xf32, #tpu.memory_space<vmem>>) dst(%dma_wait3A_53 : memref<10240xf32, #tpu.memory_space<vmem_shared>>)
        tpu.yield
      }) : () -> ()
    }
    %scan3A_37 = arith.constant 125 : i32
    %barrier3A_38 = arith.constant 0 : index
    tpu.barrier barrier_id(%barrier3A_38)
    "tpu.region"() ({
      %run_scoped3A = tpu.sem_alloc : memref<!tpu.dma_semaphore, #tpu.memory_space<semaphore_mem>>
      %dma_start3A = tpu.memref_slice %arg4[%arg0, %multiple_of3A] : memref<2x10240xf32, #tpu.memory_space<hbm>> -> memref<1x640xf32, #tpu.memory_space<hbm>>
      %dma_start3A_39 = tpu.memref_squeeze %dma_start3A : memref<1x640xf32, #tpu.memory_space<hbm>> -> memref<640xf32, #tpu.memory_space<hbm>>
      %dma_start3A_40 = tpu.memref_slice %arg7[%multiple_of3A] : memref<10240xf32, #tpu.memory_space<vmem_shared>> -> memref<640xf32, #tpu.memory_space<vmem_shared>>
      tpu.enqueue_dma source(%dma_start3A_40 : memref<640xf32, #tpu.memory_space<vmem_shared>>) target(%dma_start3A_39 : memref<640xf32, #tpu.memory_space<hbm>>) target_semaphore(%run_scoped3A : memref<!tpu.dma_semaphore, #tpu.memory_space<semaphore_mem>>)
      %dma_wait3A = tpu.memref_slice %arg4[%arg0, %multiple_of3A] : memref<2x10240xf32, #tpu.memory_space<hbm>> -> memref<1x640xf32, #tpu.memory_space<hbm>>
      %dma_wait3A_41 = tpu.memref_squeeze %dma_wait3A : memref<1x640xf32, #tpu.memory_space<hbm>> -> memref<640xf32, #tpu.memory_space<hbm>>
      %dma_wait3A_42 = tpu.memref_slice %arg7[%multiple_of3A] : memref<10240xf32, #tpu.memory_space<vmem_shared>> -> memref<640xf32, #tpu.memory_space<vmem_shared>>
      tpu.wait_dma2 semaphore(%run_scoped3A : memref<!tpu.dma_semaphore, #tpu.memory_space<semaphore_mem>>) src(%dma_wait3A_42 : memref<640xf32, #tpu.memory_space<vmem_shared>>) dst(%dma_wait3A_41 : memref<640xf32, #tpu.memory_space<hbm>>)
      tpu.yield
    }) : () -> ()
    return
  }
}

#map = affine_map<(d0, d1) -> (0, 0)>
#map1 = affine_map<(d0, d1) -> (0)>
module attributes {stable_mosaic.version = 14 : i64} {
  func.func @agg_kernel(%arg0: i32, %arg1: i32, %arg2: memref<10000x128xf32, #tpu.memory_space<hbm>>, %arg3: memref<320000xi32, #tpu.memory_space<hbm>>, %arg4: memref<320000xi32, #tpu.memory_space<hbm>>, %arg5: memref<20000x128xf32, #tpu.memory_space<hbm>>, %arg6: memref<1x80xi32, #tpu.memory_space<vmem>>, %arg7: memref<1x80xi32, #tpu.memory_space<vmem>>, %arg8: memref<80x128xf32, #tpu.memory_space<vmem>>, %arg9: memref<10000x128xf32, #tpu.memory_space<vmem_shared>>, %arg10: memref<!tpu.dma_semaphore, #tpu.memory_space<semaphore_mem>>) attributes {dimension_semantics = [#tpu.dimension_semantics<core_parallel>, #tpu.dimension_semantics<subcore_parallel>], iteration_bounds = array<i64: 2, 16>, scalar_prefetch = 0 : i64, scratch_operands = 5 : i64, tpu.core_type = #tpu.core_type<sc_vector_subcore>, window_params = [{transform_indices = #map}, {transform_indices = #map1}, {transform_indices = #map1}, {transform_indices = #map}]} {
    %mul3A = arith.constant 624 : i32
    %mul3A_0 = arith.muli %arg1, %mul3A : i32
    %multiple_of3A = tpu.assume_multiple %mul3A_0, 8 : i32
    %mul3A_1 = arith.constant 10000 : i32
    %mul3A_2 = arith.muli %arg0, %mul3A_1 : i32
    %add3A = arith.constant 0 : i32
    %add3A_3 = arith.addi %add3A, %multiple_of3A : i32
    "tpu.region"() ({
      %run_scoped3A = tpu.sem_alloc : memref<!tpu.dma_semaphore, #tpu.memory_space<semaphore_mem>>
      %dma_start3A = arith.constant 0 : i32
      %dma_start3A_23 = tpu.memref_slice %arg9[%multiple_of3A, %dma_start3A] : memref<10000x128xf32, #tpu.memory_space<vmem_shared>> -> memref<624x128xf32, #tpu.memory_space<vmem_shared>>
      %dma_start3A_24 = arith.constant 0 : i32
      %dma_start3A_25 = tpu.memref_slice %arg2[%add3A_3, %dma_start3A_24] : memref<10000x128xf32, #tpu.memory_space<hbm>> -> memref<624x128xf32, #tpu.memory_space<hbm>>
      tpu.enqueue_dma source(%dma_start3A_25 : memref<624x128xf32, #tpu.memory_space<hbm>>) target(%dma_start3A_23 : memref<624x128xf32, #tpu.memory_space<vmem_shared>>) target_semaphore(%run_scoped3A : memref<!tpu.dma_semaphore, #tpu.memory_space<semaphore_mem>>)
      %dma_wait3A = arith.constant 0 : i32
      %dma_wait3A_26 = tpu.memref_slice %arg9[%multiple_of3A, %dma_wait3A] : memref<10000x128xf32, #tpu.memory_space<vmem_shared>> -> memref<624x128xf32, #tpu.memory_space<vmem_shared>>
      %dma_wait3A_27 = arith.constant 0 : i32
      %dma_wait3A_28 = tpu.memref_slice %arg2[%add3A_3, %dma_wait3A_27] : memref<10000x128xf32, #tpu.memory_space<hbm>> -> memref<624x128xf32, #tpu.memory_space<hbm>>
      tpu.wait_dma2 semaphore(%run_scoped3A : memref<!tpu.dma_semaphore, #tpu.memory_space<semaphore_mem>>) src(%dma_wait3A_28 : memref<624x128xf32, #tpu.memory_space<hbm>>) dst(%dma_wait3A_26 : memref<624x128xf32, #tpu.memory_space<vmem_shared>>)
      tpu.yield
    }) : () -> ()
    %eq3A = arith.constant 15 : i32
    %eq3A_4 = arith.cmpi eq, %arg1, %eq3A : i32
    %convert_element_type3A = arith.extui %eq3A_4 : i1 to i32
    %cond3A = arith.constant 0 : i32
    %cond3A_5 = arith.cmpi ne, %convert_element_type3A, %cond3A : i32
    scf.if %cond3A_5 {
      %multiple_of3A_23 = arith.constant 9984 : i32
      %multiple_of3A_24 = tpu.assume_multiple %multiple_of3A_23, 8 : i32
      %add3A_25 = arith.constant 0 : i32
      %add3A_26 = arith.addi %add3A_25, %multiple_of3A_24 : i32
      "tpu.region"() ({
        %run_scoped3A = tpu.sem_alloc : memref<!tpu.dma_semaphore, #tpu.memory_space<semaphore_mem>>
        %dma_start3A = arith.constant 0 : i32
        %dma_start3A_27 = tpu.memref_slice %arg9[%multiple_of3A_24, %dma_start3A] : memref<10000x128xf32, #tpu.memory_space<vmem_shared>> -> memref<16x128xf32, #tpu.memory_space<vmem_shared>>
        %dma_start3A_28 = arith.constant 0 : i32
        %dma_start3A_29 = tpu.memref_slice %arg2[%add3A_26, %dma_start3A_28] : memref<10000x128xf32, #tpu.memory_space<hbm>> -> memref<16x128xf32, #tpu.memory_space<hbm>>
        tpu.enqueue_dma source(%dma_start3A_29 : memref<16x128xf32, #tpu.memory_space<hbm>>) target(%dma_start3A_27 : memref<16x128xf32, #tpu.memory_space<vmem_shared>>) target_semaphore(%run_scoped3A : memref<!tpu.dma_semaphore, #tpu.memory_space<semaphore_mem>>)
        %dma_wait3A = arith.constant 0 : i32
        %dma_wait3A_30 = tpu.memref_slice %arg9[%multiple_of3A_24, %dma_wait3A] : memref<10000x128xf32, #tpu.memory_space<vmem_shared>> -> memref<16x128xf32, #tpu.memory_space<vmem_shared>>
        %dma_wait3A_31 = arith.constant 0 : i32
        %dma_wait3A_32 = tpu.memref_slice %arg2[%add3A_26, %dma_wait3A_31] : memref<10000x128xf32, #tpu.memory_space<hbm>> -> memref<16x128xf32, #tpu.memory_space<hbm>>
        tpu.wait_dma2 semaphore(%run_scoped3A : memref<!tpu.dma_semaphore, #tpu.memory_space<semaphore_mem>>) src(%dma_wait3A_32 : memref<16x128xf32, #tpu.memory_space<hbm>>) dst(%dma_wait3A_30 : memref<16x128xf32, #tpu.memory_space<vmem_shared>>)
        tpu.yield
      }) : () -> ()
    } else {
    }
    %barrier3A = arith.constant 0 : index
    tpu.barrier barrier_id(%barrier3A)
    %mul3A_6 = arith.constant 16 : i32
    %mul3A_7 = arith.muli %arg0, %mul3A_6 : i32
    %add3A_8 = arith.addi %mul3A_7, %arg1 : i32
    %mul3A_9 = arith.constant 10000 : i32
    %mul3A_10 = arith.muli %add3A_8, %mul3A_9 : i32
    %scan3A = arith.constant 0 : i32
    %scan3A_11 = arith.constant 0 : i32
    %scan3A_12 = arith.constant 125 : i32
    %scan3A_13 = arith.addi %scan3A_11, %scan3A_12 : i32
    %scan3A_14 = arith.constant 1 : i32
    scf.for %scan3A_23 = %scan3A_11 to %scan3A_13 step %scan3A_14  : i32 {
      %mul3A_24 = arith.constant 80 : i32
      %mul3A_25 = arith.muli %scan3A_23, %mul3A_24 : i32
      %add3A_26 = arith.addi %mul3A_10, %mul3A_25 : i32
      %multiple_of3A_27 = tpu.assume_multiple %add3A_26, 8 : i32
      %run_scoped3A = arith.constant 0 : i32
      "tpu.region"() ({
        %run_scoped3A_42 = tpu.sem_alloc : memref<!tpu.dma_semaphore, #tpu.memory_space<semaphore_mem>>
        %dma_start3A_43 = arith.constant 0 : i32
        %dma_start3A_44 = tpu.memref_slice %arg6[%run_scoped3A, %dma_start3A_43] : memref<1x80xi32, #tpu.memory_space<vmem>> -> memref<1x80xi32, #tpu.memory_space<vmem>>
        %dma_start3A_45 = tpu.memref_squeeze %dma_start3A_44 : memref<1x80xi32, #tpu.memory_space<vmem>> -> memref<80xi32, #tpu.memory_space<vmem>>
        %dma_start3A_46 = tpu.memref_slice %arg3[%multiple_of3A_27] : memref<320000xi32, #tpu.memory_space<hbm>> -> memref<80xi32, #tpu.memory_space<hbm>>
        %dma_start3A_47 = arith.constant 0 : i32
        %dma_start3A_48 = tpu.memref_slice %arg6[%run_scoped3A, %dma_start3A_47] : memref<1x80xi32, #tpu.memory_space<vmem>> -> memref<1x80xi32, #tpu.memory_space<vmem>>
        %dma_start3A_49 = tpu.memref_squeeze %dma_start3A_48 : memref<1x80xi32, #tpu.memory_space<vmem>> -> memref<80xi32, #tpu.memory_space<vmem>>
        %dma_start3A_50 = tpu.memref_slice %arg3[%multiple_of3A_27] : memref<320000xi32, #tpu.memory_space<hbm>> -> memref<80xi32, #tpu.memory_space<hbm>>
        tpu.enqueue_dma source(%dma_start3A_50 : memref<80xi32, #tpu.memory_space<hbm>>) target(%dma_start3A_49 : memref<80xi32, #tpu.memory_space<vmem>>) target_semaphore(%run_scoped3A_42 : memref<!tpu.dma_semaphore, #tpu.memory_space<semaphore_mem>>)
        %dma_wait3A_51 = arith.constant 0 : i32
        %dma_wait3A_52 = tpu.memref_slice %arg6[%run_scoped3A, %dma_wait3A_51] : memref<1x80xi32, #tpu.memory_space<vmem>> -> memref<1x80xi32, #tpu.memory_space<vmem>>
        %dma_wait3A_53 = tpu.memref_squeeze %dma_wait3A_52 : memref<1x80xi32, #tpu.memory_space<vmem>> -> memref<80xi32, #tpu.memory_space<vmem>>
        %dma_wait3A_54 = tpu.memref_slice %arg3[%multiple_of3A_27] : memref<320000xi32, #tpu.memory_space<hbm>> -> memref<80xi32, #tpu.memory_space<hbm>>
        %dma_wait3A_55 = arith.constant 0 : i32
        %dma_wait3A_56 = tpu.memref_slice %arg6[%run_scoped3A, %dma_wait3A_55] : memref<1x80xi32, #tpu.memory_space<vmem>> -> memref<1x80xi32, #tpu.memory_space<vmem>>
        %dma_wait3A_57 = tpu.memref_squeeze %dma_wait3A_56 : memref<1x80xi32, #tpu.memory_space<vmem>> -> memref<80xi32, #tpu.memory_space<vmem>>
        %dma_wait3A_58 = tpu.memref_slice %arg3[%multiple_of3A_27] : memref<320000xi32, #tpu.memory_space<hbm>> -> memref<80xi32, #tpu.memory_space<hbm>>
        tpu.wait_dma2 semaphore(%run_scoped3A_42 : memref<!tpu.dma_semaphore, #tpu.memory_space<semaphore_mem>>) src(%dma_wait3A_58 : memref<80xi32, #tpu.memory_space<hbm>>) dst(%dma_wait3A_57 : memref<80xi32, #tpu.memory_space<vmem>>)
        tpu.yield
      }) : () -> ()
      %run_scoped3A_28 = arith.constant 0 : i32
      "tpu.region"() ({
        %run_scoped3A_42 = tpu.sem_alloc : memref<!tpu.dma_semaphore, #tpu.memory_space<semaphore_mem>>
        %dma_start3A_43 = arith.constant 0 : i32
        %dma_start3A_44 = tpu.memref_slice %arg7[%run_scoped3A_28, %dma_start3A_43] : memref<1x80xi32, #tpu.memory_space<vmem>> -> memref<1x80xi32, #tpu.memory_space<vmem>>
        %dma_start3A_45 = tpu.memref_squeeze %dma_start3A_44 : memref<1x80xi32, #tpu.memory_space<vmem>> -> memref<80xi32, #tpu.memory_space<vmem>>
        %dma_start3A_46 = tpu.memref_slice %arg4[%multiple_of3A_27] : memref<320000xi32, #tpu.memory_space<hbm>> -> memref<80xi32, #tpu.memory_space<hbm>>
        %dma_start3A_47 = arith.constant 0 : i32
        %dma_start3A_48 = tpu.memref_slice %arg7[%run_scoped3A_28, %dma_start3A_47] : memref<1x80xi32, #tpu.memory_space<vmem>> -> memref<1x80xi32, #tpu.memory_space<vmem>>
        %dma_start3A_49 = tpu.memref_squeeze %dma_start3A_48 : memref<1x80xi32, #tpu.memory_space<vmem>> -> memref<80xi32, #tpu.memory_space<vmem>>
        %dma_start3A_50 = tpu.memref_slice %arg4[%multiple_of3A_27] : memref<320000xi32, #tpu.memory_space<hbm>> -> memref<80xi32, #tpu.memory_space<hbm>>
        tpu.enqueue_dma source(%dma_start3A_50 : memref<80xi32, #tpu.memory_space<hbm>>) target(%dma_start3A_49 : memref<80xi32, #tpu.memory_space<vmem>>) target_semaphore(%run_scoped3A_42 : memref<!tpu.dma_semaphore, #tpu.memory_space<semaphore_mem>>)
        %dma_wait3A_51 = arith.constant 0 : i32
        %dma_wait3A_52 = tpu.memref_slice %arg7[%run_scoped3A_28, %dma_wait3A_51] : memref<1x80xi32, #tpu.memory_space<vmem>> -> memref<1x80xi32, #tpu.memory_space<vmem>>
        %dma_wait3A_53 = tpu.memref_squeeze %dma_wait3A_52 : memref<1x80xi32, #tpu.memory_space<vmem>> -> memref<80xi32, #tpu.memory_space<vmem>>
        %dma_wait3A_54 = tpu.memref_slice %arg4[%multiple_of3A_27] : memref<320000xi32, #tpu.memory_space<hbm>> -> memref<80xi32, #tpu.memory_space<hbm>>
        %dma_wait3A_55 = arith.constant 0 : i32
        %dma_wait3A_56 = tpu.memref_slice %arg7[%run_scoped3A_28, %dma_wait3A_55] : memref<1x80xi32, #tpu.memory_space<vmem>> -> memref<1x80xi32, #tpu.memory_space<vmem>>
        %dma_wait3A_57 = tpu.memref_squeeze %dma_wait3A_56 : memref<1x80xi32, #tpu.memory_space<vmem>> -> memref<80xi32, #tpu.memory_space<vmem>>
        %dma_wait3A_58 = tpu.memref_slice %arg4[%multiple_of3A_27] : memref<320000xi32, #tpu.memory_space<hbm>> -> memref<80xi32, #tpu.memory_space<hbm>>
        tpu.wait_dma2 semaphore(%run_scoped3A_42 : memref<!tpu.dma_semaphore, #tpu.memory_space<semaphore_mem>>) src(%dma_wait3A_58 : memref<80xi32, #tpu.memory_space<hbm>>) dst(%dma_wait3A_57 : memref<80xi32, #tpu.memory_space<vmem>>)
        tpu.yield
      }) : () -> ()
      %dma_start3A = arith.constant 0 : i32
      %dma_start3A_29 = arith.constant 0 : i32
      %dma_start3A_30 = tpu.memref_slice %arg6[%dma_start3A, %dma_start3A_29] : memref<1x80xi32, #tpu.memory_space<vmem>> -> memref<1x80xi32, #tpu.memory_space<vmem>>
      %dma_start3A_31 = tpu.memref_squeeze %dma_start3A_30 : memref<1x80xi32, #tpu.memory_space<vmem>> -> memref<80xi32, #tpu.memory_space<vmem>>
      %dma_start3A_32 = arith.constant 0 : i32
      %dma_start3A_33 = arith.constant 0 : i32
      %dma_start3A_34 = tpu.memref_slice %arg2[%dma_start3A_32, %dma_start3A_33] : memref<10000x128xf32, #tpu.memory_space<hbm>> -> memref<10000x128xf32, #tpu.memory_space<hbm>>
      tpu.enqueue_indirect_dma source(%dma_start3A_34 : memref<10000x128xf32, #tpu.memory_space<hbm>>) target(%arg8 : memref<80x128xf32, #tpu.memory_space<vmem>>) offsets(%dma_start3A_31 : memref<80xi32, #tpu.memory_space<vmem>>) semaphore(%arg10 : memref<!tpu.dma_semaphore, #tpu.memory_space<semaphore_mem>>)
      %dma_wait3A = arith.constant 0 : i32
      %dma_wait3A_35 = arith.constant 0 : i32
      %dma_wait3A_36 = tpu.memref_slice %arg6[%dma_wait3A, %dma_wait3A_35] : memref<1x80xi32, #tpu.memory_space<vmem>> -> memref<1x80xi32, #tpu.memory_space<vmem>>
      %dma_wait3A_37 = tpu.memref_squeeze %dma_wait3A_36 : memref<1x80xi32, #tpu.memory_space<vmem>> -> memref<80xi32, #tpu.memory_space<vmem>>
      %dma_wait3A_38 = arith.constant 0 : i32
      %dma_wait3A_39 = arith.constant 0 : i32
      %dma_wait3A_40 = tpu.memref_slice %arg2[%dma_wait3A_38, %dma_wait3A_39] : memref<10000x128xf32, #tpu.memory_space<hbm>> -> memref<10000x128xf32, #tpu.memory_space<hbm>>
      tpu.wait_indirect_dma semaphore(%arg10 : memref<!tpu.dma_semaphore, #tpu.memory_space<semaphore_mem>>) src(%dma_wait3A_40 : memref<10000x128xf32, #tpu.memory_space<hbm>>) dst(%arg8 : memref<80x128xf32, #tpu.memory_space<vmem>>)
      %run_scoped3A_41 = arith.constant 0 : i32
      "tpu.region"() ({
        %run_scoped3A_42 = tpu.sem_alloc : memref<!tpu.dma_semaphore, #tpu.memory_space<semaphore_mem>>
        %dma_start3A_43 = arith.constant 0 : i32
        %dma_start3A_44 = tpu.memref_slice %arg7[%run_scoped3A_41, %dma_start3A_43] : memref<1x80xi32, #tpu.memory_space<vmem>> -> memref<1x80xi32, #tpu.memory_space<vmem>>
        %dma_start3A_45 = tpu.memref_squeeze %dma_start3A_44 : memref<1x80xi32, #tpu.memory_space<vmem>> -> memref<80xi32, #tpu.memory_space<vmem>>
        %dma_start3A_46 = arith.constant 0 : i32
        %dma_start3A_47 = arith.constant 0 : i32
        %dma_start3A_48 = tpu.memref_slice %arg9[%dma_start3A_46, %dma_start3A_47] : memref<10000x128xf32, #tpu.memory_space<vmem_shared>> -> memref<10000x128xf32, #tpu.memory_space<vmem_shared>>
        tpu.enqueue_indirect_dma source(%arg8 : memref<80x128xf32, #tpu.memory_space<vmem>>) target(%dma_start3A_48 : memref<10000x128xf32, #tpu.memory_space<vmem_shared>>) offsets(%dma_start3A_45 : memref<80xi32, #tpu.memory_space<vmem>>) semaphore(%run_scoped3A_42 : memref<!tpu.dma_semaphore, #tpu.memory_space<semaphore_mem>>) {add = true}
        %dma_wait3A_49 = arith.constant 0 : i32
        %dma_wait3A_50 = tpu.memref_slice %arg7[%run_scoped3A_41, %dma_wait3A_49] : memref<1x80xi32, #tpu.memory_space<vmem>> -> memref<1x80xi32, #tpu.memory_space<vmem>>
        %dma_wait3A_51 = tpu.memref_squeeze %dma_wait3A_50 : memref<1x80xi32, #tpu.memory_space<vmem>> -> memref<80xi32, #tpu.memory_space<vmem>>
        %dma_wait3A_52 = arith.constant 0 : i32
        %dma_wait3A_53 = arith.constant 0 : i32
        %dma_wait3A_54 = tpu.memref_slice %arg9[%dma_wait3A_52, %dma_wait3A_53] : memref<10000x128xf32, #tpu.memory_space<vmem_shared>> -> memref<10000x128xf32, #tpu.memory_space<vmem_shared>>
        tpu.wait_indirect_dma semaphore(%run_scoped3A_42 : memref<!tpu.dma_semaphore, #tpu.memory_space<semaphore_mem>>) src(%arg8 : memref<80x128xf32, #tpu.memory_space<vmem>>) dst(%dma_wait3A_54 : memref<10000x128xf32, #tpu.memory_space<vmem_shared>>)
        tpu.yield
      }) : () -> ()
    }
    %scan3A_15 = arith.constant 125 : i32
    %barrier3A_16 = arith.constant 0 : index
    tpu.barrier barrier_id(%barrier3A_16)
    %add3A_17 = arith.addi %mul3A_2, %multiple_of3A : i32
    "tpu.region"() ({
      %run_scoped3A = tpu.sem_alloc : memref<!tpu.dma_semaphore, #tpu.memory_space<semaphore_mem>>
      %dma_start3A = arith.constant 0 : i32
      %dma_start3A_23 = tpu.memref_slice %arg5[%add3A_17, %dma_start3A] : memref<20000x128xf32, #tpu.memory_space<hbm>> -> memref<624x128xf32, #tpu.memory_space<hbm>>
      %dma_start3A_24 = arith.constant 0 : i32
      %dma_start3A_25 = tpu.memref_slice %arg9[%multiple_of3A, %dma_start3A_24] : memref<10000x128xf32, #tpu.memory_space<vmem_shared>> -> memref<624x128xf32, #tpu.memory_space<vmem_shared>>
      tpu.enqueue_dma source(%dma_start3A_25 : memref<624x128xf32, #tpu.memory_space<vmem_shared>>) target(%dma_start3A_23 : memref<624x128xf32, #tpu.memory_space<hbm>>) target_semaphore(%run_scoped3A : memref<!tpu.dma_semaphore, #tpu.memory_space<semaphore_mem>>)
      %dma_wait3A = arith.constant 0 : i32
      %dma_wait3A_26 = tpu.memref_slice %arg5[%add3A_17, %dma_wait3A] : memref<20000x128xf32, #tpu.memory_space<hbm>> -> memref<624x128xf32, #tpu.memory_space<hbm>>
      %dma_wait3A_27 = arith.constant 0 : i32
      %dma_wait3A_28 = tpu.memref_slice %arg9[%multiple_of3A, %dma_wait3A_27] : memref<10000x128xf32, #tpu.memory_space<vmem_shared>> -> memref<624x128xf32, #tpu.memory_space<vmem_shared>>
      tpu.wait_dma2 semaphore(%run_scoped3A : memref<!tpu.dma_semaphore, #tpu.memory_space<semaphore_mem>>) src(%dma_wait3A_28 : memref<624x128xf32, #tpu.memory_space<vmem_shared>>) dst(%dma_wait3A_26 : memref<624x128xf32, #tpu.memory_space<hbm>>)
      tpu.yield
    }) : () -> ()
    %eq3A_18 = arith.constant 15 : i32
    %eq3A_19 = arith.cmpi eq, %arg1, %eq3A_18 : i32
    %convert_element_type3A_20 = arith.extui %eq3A_19 : i1 to i32
    %cond3A_21 = arith.constant 0 : i32
    %cond3A_22 = arith.cmpi ne, %convert_element_type3A_20, %cond3A_21 : i32
    scf.if %cond3A_22 {
      %multiple_of3A_23 = arith.constant 9984 : i32
      %multiple_of3A_24 = tpu.assume_multiple %multiple_of3A_23, 8 : i32
      %add3A_25 = arith.addi %mul3A_2, %multiple_of3A_24 : i32
      "tpu.region"() ({
        %run_scoped3A = tpu.sem_alloc : memref<!tpu.dma_semaphore, #tpu.memory_space<semaphore_mem>>
        %dma_start3A = arith.constant 0 : i32
        %dma_start3A_26 = tpu.memref_slice %arg5[%add3A_25, %dma_start3A] : memref<20000x128xf32, #tpu.memory_space<hbm>> -> memref<16x128xf32, #tpu.memory_space<hbm>>
        %dma_start3A_27 = arith.constant 0 : i32
        %dma_start3A_28 = tpu.memref_slice %arg9[%multiple_of3A_24, %dma_start3A_27] : memref<10000x128xf32, #tpu.memory_space<vmem_shared>> -> memref<16x128xf32, #tpu.memory_space<vmem_shared>>
        tpu.enqueue_dma source(%dma_start3A_28 : memref<16x128xf32, #tpu.memory_space<vmem_shared>>) target(%dma_start3A_26 : memref<16x128xf32, #tpu.memory_space<hbm>>) target_semaphore(%run_scoped3A : memref<!tpu.dma_semaphore, #tpu.memory_space<semaphore_mem>>)
        %dma_wait3A = arith.constant 0 : i32
        %dma_wait3A_29 = tpu.memref_slice %arg5[%add3A_25, %dma_wait3A] : memref<20000x128xf32, #tpu.memory_space<hbm>> -> memref<16x128xf32, #tpu.memory_space<hbm>>
        %dma_wait3A_30 = arith.constant 0 : i32
        %dma_wait3A_31 = tpu.memref_slice %arg9[%multiple_of3A_24, %dma_wait3A_30] : memref<10000x128xf32, #tpu.memory_space<vmem_shared>> -> memref<16x128xf32, #tpu.memory_space<vmem_shared>>
        tpu.wait_dma2 semaphore(%run_scoped3A : memref<!tpu.dma_semaphore, #tpu.memory_space<semaphore_mem>>) src(%dma_wait3A_31 : memref<16x128xf32, #tpu.memory_space<vmem_shared>>) dst(%dma_wait3A_29 : memref<16x128xf32, #tpu.memory_space<hbm>>)
        tpu.yield
      }) : () -> ()
    } else {
    }
    return
  }
}

module attributes {stable_mosaic.version = 14 : i64} {
  func.func @_fin_body(%arg0: i32, %arg1: memref<1x2048x128xf32, #tpu.memory_space<vmem>>, %arg2: memref<1x2048x128xf32, #tpu.memory_space<vmem>>, %arg3: memref<2048x128xf32, #tpu.memory_space<vmem>>, %arg4: memref<2x10240xf32, #tpu.memory_space<vmem>>, %arg5: memref<128xf32, #tpu.memory_space<vmem>>, %arg6: memref<2048x128xf32, #tpu.memory_space<vmem>>) attributes {dimension_semantics = [#tpu.dimension_semantics<arbitrary>], iteration_bounds = array<i64: 5>, scalar_prefetch = 0 : i64, scratch_operands = 0 : i64, tpu.core_type = #tpu.core_type<tc>, window_params = [{transform_indices = @transform_0, window_bounds = array<i64: 1, 2048, 128>}, {transform_indices = @transform_1, window_bounds = array<i64: 1, 2048, 128>}, {transform_indices = @transform_2, window_bounds = array<i64: 2048, 128>}, {pipeline_mode = #tpu.pipeline_mode<synchronous>, transform_indices = @transform_3, window_bounds = array<i64: 2, 10240>}, {pipeline_mode = #tpu.pipeline_mode<synchronous>, transform_indices = @transform_4, window_bounds = array<i64: 128>}, {transform_indices = @transform_5, window_bounds = array<i64: 2048, 128>}]} {
    %mul3A = arith.constant 2048 : i32
    %mul3A_0 = arith.muli %arg0, %mul3A : i32
    %multiple_of3A = tpu.assume_multiple %mul3A_0, 128 : i32
    %get3A = arith.constant 0 : index
    %get3A_1 = arith.index_cast %multiple_of3A : i32 to index
    %get3A_2 = vector.load %arg4[%get3A, %get3A_1] : memref<2x10240xf32, #tpu.memory_space<vmem>>, vector<2x2048xf32>
    %slice3A = vector.extract_strided_slice %get3A_2 {offsets = [0, 0], sizes = [1, 2048], strides = [1, 1]} : vector<2x2048xf32> to vector<1x2048xf32>
    %squeeze3A = vector.shape_cast %slice3A : vector<1x2048xf32> to vector<2048xf32>
    %slice3A_3 = vector.extract_strided_slice %get3A_2 {offsets = [1, 0], sizes = [1, 2048], strides = [1, 1]} : vector<2x2048xf32> to vector<1x2048xf32>
    %squeeze3A_4 = vector.shape_cast %slice3A_3 : vector<1x2048xf32> to vector<2048xf32>
    %add3A = arith.addf %squeeze3A, %squeeze3A_4 : vector<2048xf32>
    %add3A_5 = arith.constant 1.000000e+00 : f32
    %add3A_6 = vector.broadcast %add3A_5 : f32 to vector<2048xf32>
    %add3A_7 = arith.addf %add3A, %add3A_6 : vector<2048xf32>
    %rsqrt3A = math.rsqrt %add3A_7 : vector<2048xf32>
    %broadcast_in_dim3A = vector.shape_cast %rsqrt3A : vector<2048xf32> to vector<2048x1xf32>
    %get3A_8 = arith.constant 0 : index
    %get3A_9 = arith.constant 0 : index
    %get3A_10 = arith.constant 0 : index
    %get3A_11 = vector.load %arg1[%get3A_8, %get3A_9, %get3A_10] : memref<1x2048x128xf32, #tpu.memory_space<vmem>>, vector<1x2048x128xf32>
    %get3A_12 = vector.shape_cast %get3A_11 : vector<1x2048x128xf32> to vector<2048x128xf32>
    %get3A_13 = arith.constant 0 : index
    %get3A_14 = arith.constant 0 : index
    %get3A_15 = arith.constant 0 : index
    %get3A_16 = vector.load %arg2[%get3A_13, %get3A_14, %get3A_15] : memref<1x2048x128xf32, #tpu.memory_space<vmem>>, vector<1x2048x128xf32>
    %get3A_17 = vector.shape_cast %get3A_16 : vector<1x2048x128xf32> to vector<2048x128xf32>
    %add3A_18 = arith.addf %get3A_12, %get3A_17 : vector<2048x128xf32>
    %get3A_19 = arith.constant 0 : index
    %get3A_20 = arith.constant 0 : index
    %get3A_21 = vector.load %arg3[%get3A_19, %get3A_20] : memref<2048x128xf32, #tpu.memory_space<vmem>>, vector<2048x128xf32>
    %sub3A = arith.subf %add3A_18, %get3A_21 : vector<2048x128xf32>
    %mul3A_22 = vector.broadcast %broadcast_in_dim3A : vector<2048x1xf32> to vector<2048x128xf32>
    %mul3A_23 = arith.mulf %sub3A, %mul3A_22 : vector<2048x128xf32>
    %get3A_24 = arith.constant 0 : index
    %get3A_25 = vector.load %arg5[%get3A_24] : memref<128xf32, #tpu.memory_space<vmem>>, vector<128xf32>
    %broadcast_in_dim3A_26 = vector.shape_cast %get3A_25 : vector<128xf32> to vector<1x128xf32>
    %add3A_27 = vector.broadcast %broadcast_in_dim3A_26 : vector<1x128xf32> to vector<2048x128xf32>
    %add3A_28 = arith.addf %mul3A_23, %add3A_27 : vector<2048x128xf32>
    %swap3A = arith.constant 0 : index
    %swap3A_29 = arith.constant 0 : index
    %swap3A_30 = vector.load %arg6[%swap3A, %swap3A_29] : memref<2048x128xf32, #tpu.memory_space<vmem>>, vector<2048x128xf32>
    tpu.vector_store %arg6[%swap3A, %swap3A_29], %add3A_28 {strides = array<i32>} : memref<2048x128xf32, #tpu.memory_space<vmem>>, vector<2048x128xf32>,
    return
  }
  func.func @transform_0(%arg0: i32) -> (i32, i32, i32) {
    %c0_i32 = arith.constant 0 : i32
    %c0_i32_0 = arith.constant 0 : i32
    %c0_i32_1 = arith.constant 0 : i32
    return %c0_i32, %arg0, %c0_i32_0 : i32, i32, i32
  }
  func.func @transform_1(%arg0: i32) -> (i32, i32, i32) {
    %c1_i32 = arith.constant 1 : i32
    %c0_i32 = arith.constant 0 : i32
    %c0_i32_0 = arith.constant 0 : i32
    return %c1_i32, %arg0, %c0_i32 : i32, i32, i32
  }
  func.func @transform_2(%arg0: i32) -> (i32, i32) {
    %c0_i32 = arith.constant 0 : i32
    %c0_i32_0 = arith.constant 0 : i32
    return %arg0, %c0_i32 : i32, i32
  }
  func.func @transform_3(%arg0: i32) -> (i32, i32) {
    %c0_i32 = arith.constant 0 : i32
    %c0_i32_0 = arith.constant 0 : i32
    %c0_i32_1 = arith.constant 0 : i32
    return %c0_i32, %c0_i32_0 : i32, i32
  }
  func.func @transform_4(%arg0: i32) -> i32 {
    %c0_i32 = arith.constant 0 : i32
    %c0_i32_0 = arith.constant 0 : i32
    return %c0_i32 : i32
  }
  func.func @transform_5(%arg0: i32) -> (i32, i32) {
    %c0_i32 = arith.constant 0 : i32
    %c0_i32_0 = arith.constant 0 : i32
    return %arg0, %c0_i32 : i32, i32
  }
}

module attributes {stable_mosaic.version = 14 : i64} {
  func.func @_mm2_body(%arg0: i32, %arg1: memref<1x2048x128xf32, #tpu.memory_space<vmem>>, %arg2: memref<1x2048x128xf32, #tpu.memory_space<vmem>>, %arg3: memref<2x10240xf32, #tpu.memory_space<vmem>>, %arg4: memref<256xf32, #tpu.memory_space<vmem>>, %arg5: memref<256x128xf32, #tpu.memory_space<vmem>>, %arg6: memref<2048x128xf32, #tpu.memory_space<vmem>>) attributes {dimension_semantics = [#tpu.dimension_semantics<arbitrary>], iteration_bounds = array<i64: 5>, scalar_prefetch = 0 : i64, scratch_operands = 0 : i64, tpu.core_type = #tpu.core_type<tc>, window_params = [{transform_indices = @transform_0, window_bounds = array<i64: 1, 2048, 128>}, {transform_indices = @transform_1, window_bounds = array<i64: 1, 2048, 128>}, {pipeline_mode = #tpu.pipeline_mode<synchronous>, transform_indices = @transform_2, window_bounds = array<i64: 2, 10240>}, {pipeline_mode = #tpu.pipeline_mode<synchronous>, transform_indices = @transform_3, window_bounds = array<i64: 256>}, {pipeline_mode = #tpu.pipeline_mode<synchronous>, transform_indices = @transform_4, window_bounds = array<i64: 256, 128>}, {transform_indices = @transform_5, window_bounds = array<i64: 2048, 128>}]} {
    %mul3A = arith.constant 2048 : i32
    %mul3A_0 = arith.muli %arg0, %mul3A : i32
    %multiple_of3A = tpu.assume_multiple %mul3A_0, 128 : i32
    %get3A = arith.constant 0 : index
    %get3A_1 = arith.index_cast %multiple_of3A : i32 to index
    %get3A_2 = vector.load %arg3[%get3A, %get3A_1] : memref<2x10240xf32, #tpu.memory_space<vmem>>, vector<2x2048xf32>
    %slice3A = vector.extract_strided_slice %get3A_2 {offsets = [0, 0], sizes = [1, 2048], strides = [1, 1]} : vector<2x2048xf32> to vector<1x2048xf32>
    %squeeze3A = vector.shape_cast %slice3A : vector<1x2048xf32> to vector<2048xf32>
    %slice3A_3 = vector.extract_strided_slice %get3A_2 {offsets = [1, 0], sizes = [1, 2048], strides = [1, 1]} : vector<2x2048xf32> to vector<1x2048xf32>
    %squeeze3A_4 = vector.shape_cast %slice3A_3 : vector<1x2048xf32> to vector<2048xf32>
    %add3A = arith.addf %squeeze3A, %squeeze3A_4 : vector<2048xf32>
    %add3A_5 = arith.constant 1.000000e+00 : f32
    %add3A_6 = vector.broadcast %add3A_5 : f32 to vector<2048xf32>
    %add3A_7 = arith.addf %add3A, %add3A_6 : vector<2048xf32>
    %rsqrt3A = math.rsqrt %add3A_7 : vector<2048xf32>
    %broadcast_in_dim3A = vector.shape_cast %rsqrt3A : vector<2048xf32> to vector<2048x1xf32>
    %get3A_8 = arith.constant 0 : index
    %get3A_9 = vector.load %arg4[%get3A_8] : memref<256xf32, #tpu.memory_space<vmem>>, vector<256xf32>
    %get3A_10 = arith.constant 0 : index
    %get3A_11 = arith.constant 0 : index
    %get3A_12 = arith.constant 0 : index
    %get3A_13 = vector.load %arg1[%get3A_10, %get3A_11, %get3A_12] : memref<1x2048x128xf32, #tpu.memory_space<vmem>>, vector<1x2048x128xf32>
    %get3A_14 = vector.shape_cast %get3A_13 : vector<1x2048x128xf32> to vector<2048x128xf32>
    %mul3A_15 = vector.broadcast %broadcast_in_dim3A : vector<2048x1xf32> to vector<2048x128xf32>
    %mul3A_16 = arith.mulf %get3A_14, %mul3A_15 : vector<2048x128xf32>
    %slice3A_17 = vector.extract_strided_slice %get3A_9 {offsets = [0], sizes = [128], strides = [1]} : vector<256xf32> to vector<128xf32>
    %broadcast_in_dim3A_18 = vector.shape_cast %slice3A_17 : vector<128xf32> to vector<1x128xf32>
    %add3A_19 = vector.broadcast %broadcast_in_dim3A_18 : vector<1x128xf32> to vector<2048x128xf32>
    %add3A_20 = arith.addf %mul3A_16, %add3A_19 : vector<2048x128xf32>
    %max3A = arith.constant 0.000000e+00 : f32
    %max3A_21 = vector.broadcast %max3A : f32 to vector<2048x128xf32>
    %max3A_22 = arith.maximumf %add3A_20, %max3A_21 : vector<2048x128xf32>
    %get3A_23 = arith.constant 0 : index
    %get3A_24 = arith.constant 0 : index
    %get3A_25 = arith.constant 0 : index
    %get3A_26 = vector.load %arg2[%get3A_23, %get3A_24, %get3A_25] : memref<1x2048x128xf32, #tpu.memory_space<vmem>>, vector<1x2048x128xf32>
    %get3A_27 = vector.shape_cast %get3A_26 : vector<1x2048x128xf32> to vector<2048x128xf32>
    %mul3A_28 = vector.broadcast %broadcast_in_dim3A : vector<2048x1xf32> to vector<2048x128xf32>
    %mul3A_29 = arith.mulf %get3A_27, %mul3A_28 : vector<2048x128xf32>
    %slice3A_30 = vector.extract_strided_slice %get3A_9 {offsets = [128], sizes = [128], strides = [1]} : vector<256xf32> to vector<128xf32>
    %broadcast_in_dim3A_31 = vector.shape_cast %slice3A_30 : vector<128xf32> to vector<1x128xf32>
    %add3A_32 = vector.broadcast %broadcast_in_dim3A_31 : vector<1x128xf32> to vector<2048x128xf32>
    %add3A_33 = arith.addf %mul3A_29, %add3A_32 : vector<2048x128xf32>
    %max3A_34 = arith.constant 0.000000e+00 : f32
    %max3A_35 = vector.broadcast %max3A_34 : f32 to vector<2048x128xf32>
    %max3A_36 = arith.maximumf %add3A_33, %max3A_35 : vector<2048x128xf32>
    %get3A_37 = arith.constant 0 : index
    %get3A_38 = arith.constant 0 : index
    %get3A_39 = vector.load %arg5[%get3A_37, %get3A_38] : memref<256x128xf32, #tpu.memory_space<vmem>>, vector<256x128xf32>
    %slice3A_40 = vector.extract_strided_slice %get3A_39 {offsets = [0, 0], sizes = [128, 128], strides = [1, 1]} : vector<256x128xf32> to vector<128x128xf32>
    %dot_general3A = arith.constant dense<0.000000e+00> : vector<2048x128xf32>
    %dot_general3A_41 = tpu.matmul %max3A_22, %slice3A_40, %dot_general3A {dimension_numbers = #tpu.dot_dimension_numbers<[1], [0], [0], [1], [0, 0, 1, 1], [], []>, precision = #tpu.contract_precision<fp32>, transpose_lhs_hint = false} : vector<2048x128xf32>, vector<128x128xf32>, vector<2048x128xf32> -> vector<2048x128xf32>
    %slice3A_42 = vector.extract_strided_slice %get3A_39 {offsets = [128, 0], sizes = [128, 128], strides = [1, 1]} : vector<256x128xf32> to vector<128x128xf32>
    %dot_general3A_43 = arith.constant dense<0.000000e+00> : vector<2048x128xf32>
    %dot_general3A_44 = tpu.matmul %max3A_36, %slice3A_42, %dot_general3A_43 {dimension_numbers = #tpu.dot_dimension_numbers<[1], [0], [0], [1], [0, 0, 1, 1], [], []>, precision = #tpu.contract_precision<fp32>, transpose_lhs_hint = false} : vector<2048x128xf32>, vector<128x128xf32>, vector<2048x128xf32> -> vector<2048x128xf32>
    %add3A_45 = arith.addf %dot_general3A_41, %dot_general3A_44 : vector<2048x128xf32>
    %mul3A_46 = vector.broadcast %broadcast_in_dim3A : vector<2048x1xf32> to vector<2048x128xf32>
    %mul3A_47 = arith.mulf %add3A_45, %mul3A_46 : vector<2048x128xf32>
    %swap3A = arith.constant 0 : index
    %swap3A_48 = arith.constant 0 : index
    %swap3A_49 = vector.load %arg6[%swap3A, %swap3A_48] : memref<2048x128xf32, #tpu.memory_space<vmem>>, vector<2048x128xf32>
    tpu.vector_store %arg6[%swap3A, %swap3A_48], %mul3A_47 {strides = array<i32>} : memref<2048x128xf32, #tpu.memory_space<vmem>>, vector<2048x128xf32>,
    return
  }
  func.func @transform_0(%arg0: i32) -> (i32, i32, i32) {
    %c0_i32 = arith.constant 0 : i32
    %c0_i32_0 = arith.constant 0 : i32
    %c0_i32_1 = arith.constant 0 : i32
    return %c0_i32, %arg0, %c0_i32_0 : i32, i32, i32
  }
  func.func @transform_1(%arg0: i32) -> (i32, i32, i32) {
    %c1_i32 = arith.constant 1 : i32
    %c0_i32 = arith.constant 0 : i32
    %c0_i32_0 = arith.constant 0 : i32
    return %c1_i32, %arg0, %c0_i32 : i32, i32, i32
  }
  func.func @transform_2(%arg0: i32) -> (i32, i32) {
    %c0_i32 = arith.constant 0 : i32
    %c0_i32_0 = arith.constant 0 : i32
    %c0_i32_1 = arith.constant 0 : i32
    return %c0_i32, %c0_i32_0 : i32, i32
  }
  func.func @transform_3(%arg0: i32) -> i32 {
    %c0_i32 = arith.constant 0 : i32
    %c0_i32_0 = arith.constant 0 : i32
    return %c0_i32 : i32
  }
  func.func @transform_4(%arg0: i32) -> (i32, i32) {
    %c0_i32 = arith.constant 0 : i32
    %c0_i32_0 = arith.constant 0 : i32
    %c0_i32_1 = arith.constant 0 : i32
    return %c0_i32, %c0_i32_0 : i32, i32
  }
  func.func @transform_5(%arg0: i32) -> (i32, i32) {
    %c0_i32 = arith.constant 0 : i32
    %c0_i32_0 = arith.constant 0 : i32
    return %arg0, %c0_i32 : i32, i32
  }
}

module attributes {stable_mosaic.version = 14 : i64} {
  func.func @_mm1_body(%arg0: i32, %arg1: i32, %arg2: memref<2048x128xf32, #tpu.memory_space<vmem>>, %arg3: memref<128x128xf32, #tpu.memory_space<vmem>>, %arg4: memref<2x10240xf32, #tpu.memory_space<vmem>>, %arg5: memref<1x2048x128xf32, #tpu.memory_space<vmem>>) attributes {dimension_semantics = [#tpu.dimension_semantics<arbitrary>, #tpu.dimension_semantics<arbitrary>], iteration_bounds = array<i64: 5, 2>, scalar_prefetch = 0 : i64, scratch_operands = 0 : i64, tpu.core_type = #tpu.core_type<tc>, window_params = [{transform_indices = @transform_0, window_bounds = array<i64: 2048, 128>}, {transform_indices = @transform_1, window_bounds = array<i64: 128, 128>}, {pipeline_mode = #tpu.pipeline_mode<synchronous>, transform_indices = @transform_2, window_bounds = array<i64: 2, 10240>}, {transform_indices = @transform_3, window_bounds = array<i64: 1, 2048, 128>}]} {
    %mul3A = arith.constant 2048 : i32
    %mul3A_0 = arith.muli %arg0, %mul3A : i32
    %multiple_of3A = tpu.assume_multiple %mul3A_0, 128 : i32
    %get3A = arith.constant 0 : index
    %get3A_1 = arith.index_cast %multiple_of3A : i32 to index
    %get3A_2 = vector.load %arg4[%get3A, %get3A_1] : memref<2x10240xf32, #tpu.memory_space<vmem>>, vector<2x2048xf32>
    %slice3A = vector.extract_strided_slice %get3A_2 {offsets = [0, 0], sizes = [1, 2048], strides = [1, 1]} : vector<2x2048xf32> to vector<1x2048xf32>
    %squeeze3A = vector.shape_cast %slice3A : vector<1x2048xf32> to vector<2048xf32>
    %slice3A_3 = vector.extract_strided_slice %get3A_2 {offsets = [1, 0], sizes = [1, 2048], strides = [1, 1]} : vector<2x2048xf32> to vector<1x2048xf32>
    %squeeze3A_4 = vector.shape_cast %slice3A_3 : vector<1x2048xf32> to vector<2048xf32>
    %add3A = arith.addf %squeeze3A, %squeeze3A_4 : vector<2048xf32>
    %add3A_5 = arith.constant 1.000000e+00 : f32
    %add3A_6 = vector.broadcast %add3A_5 : f32 to vector<2048xf32>
    %add3A_7 = arith.addf %add3A, %add3A_6 : vector<2048xf32>
    %rsqrt3A = math.rsqrt %add3A_7 : vector<2048xf32>
    %get3A_8 = arith.constant 0 : index
    %get3A_9 = arith.constant 0 : index
    %get3A_10 = vector.load %arg2[%get3A_8, %get3A_9] : memref<2048x128xf32, #tpu.memory_space<vmem>>, vector<2048x128xf32>
    %get3A_11 = arith.constant 0 : index
    %get3A_12 = arith.constant 0 : index
    %get3A_13 = vector.load %arg3[%get3A_11, %get3A_12] : memref<128x128xf32, #tpu.memory_space<vmem>>, vector<128x128xf32>
    %dot_general3A = arith.constant dense<0.000000e+00> : vector<2048x128xf32>
    %dot_general3A_14 = tpu.matmul %get3A_10, %get3A_13, %dot_general3A {dimension_numbers = #tpu.dot_dimension_numbers<[1], [0], [0], [1], [0, 0, 1, 1], [], []>, precision = #tpu.contract_precision<fp32>, transpose_lhs_hint = false} : vector<2048x128xf32>, vector<128x128xf32>, vector<2048x128xf32> -> vector<2048x128xf32>
    %broadcast_in_dim3A = vector.shape_cast %rsqrt3A : vector<2048xf32> to vector<2048x1xf32>
    %mul3A_15 = vector.broadcast %broadcast_in_dim3A : vector<2048x1xf32> to vector<2048x128xf32>
    %mul3A_16 = arith.mulf %dot_general3A_14, %mul3A_15 : vector<2048x128xf32>
    %swap3A = arith.constant 0 : index
    %swap3A_17 = arith.constant 0 : index
    %swap3A_18 = arith.constant 0 : index
    %swap3A_19 = vector.load %arg5[%swap3A, %swap3A_17, %swap3A_18] : memref<1x2048x128xf32, #tpu.memory_space<vmem>>, vector<1x2048x128xf32>
    %swap3A_20 = vector.shape_cast %swap3A_19 : vector<1x2048x128xf32> to vector<2048x128xf32>
    %swap3A_21 = vector.shape_cast %mul3A_16 : vector<2048x128xf32> to vector<1x2048x128xf32>
    tpu.vector_store %arg5[%swap3A, %swap3A_17, %swap3A_18], %swap3A_21 {strides = array<i32>} : memref<1x2048x128xf32, #tpu.memory_space<vmem>>, vector<1x2048x128xf32>,
    return
  }
  func.func @transform_0(%arg0: i32, %arg1: i32) -> (i32, i32) {
    %c0_i32 = arith.constant 0 : i32
    %c0_i32_0 = arith.constant 0 : i32
    return %arg0, %c0_i32 : i32, i32
  }
  func.func @transform_1(%arg0: i32, %arg1: i32) -> (i32, i32) {
    %c0_i32 = arith.constant 0 : i32
    %c0_i32_0 = arith.constant 0 : i32
    return %c0_i32, %arg1 : i32, i32
  }
  func.func @transform_2(%arg0: i32, %arg1: i32) -> (i32, i32) {
    %c0_i32 = arith.constant 0 : i32
    %c0_i32_0 = arith.constant 0 : i32
    %c0_i32_1 = arith.constant 0 : i32
    return %c0_i32, %c0_i32_0 : i32, i32
  }
  func.func @transform_3(%arg0: i32, %arg1: i32) -> (i32, i32, i32) {
    %c0_i32 = arith.constant 0 : i32
    %c0_i32_0 = arith.constant 0 : i32
    return %arg1, %arg0, %c0_i32 : i32, i32, i32
  }
}

</mosaic_0001>

<sc_bundles>
// kernel: kernel.11.cloned.1.call-start
scs
__scs_entry_jumppad:
0x0: {  	(pc) =	sbr.rel $0x88, $3  }
0x1: {  	(tag) =	ssettag $0x0;
	lr =	simm.s32 $0x1  }
0x2: {  	[smem:$0x3F9B] =	sst lr;
	_ =	strace $0xD0000000  }
0x3: {  	_ = 	snop  }
0x4: {  	_ = 	snop  }
0x5: {  	_ = 	snop  }
0x6: {  	_ = 	snop  }
0x7: {  	_ = 	snop  }
__scs_overlays_trampoline_lowered:
0x8: {  	[smem:$0x3FAA] =	sst s0  }
0x9: {  	[smem:$0x3FAB] =	sst s1  }
0xa: {  	[smem:$0x3FAC] =	sst s2  }
0xb: {  	[smem:$0x3FAD] =	sst s3  }
0xc: {  	[smem:$0x3FAE] =	sst s4  }
0xd: {  	[smem:$0x3FAF] =	sst s5  }
0xe: {  	[smem:$0x3FB0] =	sst s6  }
0xf: {  	[smem:$0x3FB1] =	sst s7  }
0x10: {  	[smem:$0x3FB2] =	sst s8  }
0x11: {  	[smem:$0x3FB3] =	sst s9;
	s0 =	simm.s32 @!p0 $0x0  }
0x12: {  	s1 =	sld [smem:$0x3F99];
	s0 =	simm.s32 @p0 $0x1  }
0x13: {  	[smem:$0x3FB4] =	sst s0;
	s0 =	simm.s32 @!p1 $0x0  }
0x14: {  	s2 =	sld [smem:$0x3F98];
	s0 =	simm.s32 @p1 $0x1  }
0x15: {  	[smem:$0x3FB5] =	sst s0;
	s0 =	simm.s32 @!p2 $0x0  }
0x16: {  	s3 =	sld [smem:$0x3FDB];
	s0 =	simm.s32 @p2 $0x1  }
0x17: {  	s4 =	simm.s32 $0x1BF5;
	[smem:$0x3FB7] =	sst s0  }
0x18: {  	s0 =	sld [smem:$0x3F9A];
	_ =	swait.ge [sflag:s4], $0x0  }
0x19: {  	s7 =	sld [smem:$0x3F9B]  }
0x1a: {  	s8 =	sadd.s32 $0xFFFFE003, lr  }
0x1b: {  	s9 =	sadd.s32 $0xFFFFFEF7, lr;
	s5 =	simm.s32 $0xFFFFFFFF;
	p2 =	slt.u32 s8, $0xFFFFF086  }
0x1c: {  	p1 =	slt.u32 s9, $0xF7A;
	s5 =	simm.s32 @!p2 $0x0  }
0x1d: {  	s5 =	simm.s32 @p1 $0x1;
	p0 =	seq.s32 s7, s2  }
0x1e: {  	s7 =	smul.u32 @!p0 $0xF7A, s2;
	p2 =	seq.s32 @!p0 s5, $0x0  }
0x1f: {  	s9 =	smul.u32 $0xF7A, s1;
	s8 =	simm.s32 @!p0 $0x1BF5;
	p2 =	por !p2, p0  }
0x20: {  	[sflag:s8] =	ssyncset.s32 @!p0 $0xFFFFF086;
	s6 =	sadd.s32 @!p0 s3, s7;
	s7 =	simm.s32 @!p0 $0x108  }
0x21: {  	s3 =	sadd.s32 s3, s9;
	s6 =	sadd.s32 @!p0 $0x88, s6;
	s7 =	simm.s32 @p2 $0x1082  }
0x22: {  	[simem:s7], [sflag:s8] =	dma.local @!p0 [hbm:s6], $0xF7A  }
0x23: {  	s9 =	sor.u32 $0xD0000000, s2;
	s6 =	simm.s32 $0x108;
	_ =	swait.ge @!p0 [sflag:s8], $0x0  }
0x24: {  	s3 =	sadd.s32 $0x88, s3;
	s6 =	simm.s32 @!p1 $0x1082;
	[sflag:s4] =	ssyncset.s32 $0xFFFFF086  }
0x25: {  	[simem:s6], [sflag:s4] =	dma.local [hbm:s3], $0xF7A  }
0x26: {  	[smem:$0x3F9B] =	sst s1;
	(tag) =	ssettag s2;
	_ =	strace s9  }
0x27: {  	s1 =	sld [smem:$0x3FAB]  }
0x28: {  	s2 =	sld [smem:$0x3FAC]  }
0x29: {  	s4 =	sld [smem:$0x3FAE]  }
0x2a: {  	p0 =	seq.s32 s5, $0x0;
	s5 =	sld [smem:$0x3FAF]  }
0x2b: {  	s6 =	sld [smem:$0x3FB0]  }
0x2c: {  	s7 =	sld [smem:$0x3FB1]  }
0x2d: {  	s3 =	simm.s32 $0x108;
	s8 =	sld [smem:$0x3FB2]  }
0x2e: {  	s3 =	simm.s32 @!p0 $0x1082;
	s9 =	sld [smem:$0x3FB3]  }
0x2f: {  	lr =	sadd.s32 s0, s3;
	s0 =	sld [smem:$0x3FAA]  }
0x30: {  	s3 =	sld [smem:$0x3FAD]  }
0x31: {  	[smem:$0x3FB6] =	sst s10  }
0x32: {  	s10 =	sld [smem:$0x3FB4];
	_ =	sdelay $0x3  }
0x33: {  	p0 =	seq.s32 s10, $0x1;
	s10 =	sld [smem:$0x3FB6];
	_ =	sdelay $0x3  }
0x34: {  	[smem:$0x3FB6] =	sst s10  }
0x35: {  	s10 =	sld [smem:$0x3FB5];
	_ =	sdelay $0x3  }
0x36: {  	p1 =	seq.s32 s10, $0x1;
	s10 =	sld [smem:$0x3FB6];
	_ =	sdelay $0x3  }
0x37: {  	[smem:$0x3FB6] =	sst s10  }
0x38: {  	s10 =	sld [smem:$0x3FB7]  }
0x39: {  	_ = 	snop;
	(pc) =	sbr.ind lr, $3  }
0x3a: {  	_ = 	snop  }
0x3b: {  	_ = 	snop  }
0x3c: {  	p2 =	seq.s32 s10, $0x1;
	s10 =	sld [smem:$0x3FB6]  }
0x3d: {  	_ =	shalt  }
0x3e: {  	_ =	shalt  }
0x3f: {  	_ =	shalt  }
0x40: {  	_ =	shalt  }
0x41: {  	_ =	shalt  }
0x42: {  	_ =	shalt  }
0x43: {  	_ =	shalt  }
0x44: {  	_ =	shalt  }
0x45: {  	_ =	shalt  }
0x46: {  	_ =	shalt  }
0x47: {  	_ =	shalt  }
0x48: {  	_ =	shalt  }
0x49: {  	_ =	shalt  }
0x4a: {  	_ =	shalt  }
0x4b: {  	_ =	shalt  }
0x4c: {  	_ =	shalt  }
0x4d: {  	_ =	shalt  }
0x4e: {  	_ =	shalt  }
0x4f: {  	_ =	shalt  }
0x50: {  	_ =	shalt  }
0x51: {  	_ =	shalt  }
0x52: {  	_ =	shalt  }
0x53: {  	_ =	shalt  }
0x54: {  	_ =	shalt  }
0x55: {  	_ =	shalt  }
0x56: {  	_ =	shalt  }
0x57: {  	_ =	shalt  }
0x58: {  	_ =	shalt  }
0x59: {  	_ =	shalt  }
0x5a: {  	_ =	shalt  }
0x5b: {  	_ =	shalt  }
0x5c: {  	_ =	shalt  }
0x5d: {  	_ =	shalt  }
0x5e: {  	_ =	shalt  }
0x5f: {  	_ =	shalt  }
0x60: {  	_ =	shalt  }
0x61: {  	_ =	shalt  }
0x62: {  	_ =	shalt  }
0x63: {  	_ =	shalt  }
0x64: {  	_ =	shalt  }
0x65: {  	_ =	shalt  }
0x66: {  	_ =	shalt  }
0x67: {  	_ =	shalt  }
0x68: {  	_ =	shalt  }
0x69: {  	_ =	shalt  }
0x6a: {  	_ =	shalt  }
0x6b: {  	_ =	shalt  }
0x6c: {  	_ =	shalt  }
0x6d: {  	_ =	shalt  }
0x6e: {  	_ =	shalt  }
0x6f: {  	_ =	shalt  }
0x70: {  	_ =	shalt  }
0x71: {  	_ =	shalt  }
0x72: {  	_ =	shalt  }
0x73: {  	_ =	shalt  }
0x74: {  	_ =	shalt  }
0x75: {  	_ =	shalt  }
0x76: {  	_ =	shalt  }
0x77: {  	_ =	shalt  }
0x78: {  	_ =	shalt  }
0x79: {  	_ =	shalt  }
0x7a: {  	_ =	shalt  }
0x7b: {  	_ =	shalt  }
0x7c: {  	_ =	shalt  }
0x7d: {  	_ =	shalt  }
0x7e: {  	_ =	shalt  }
0x7f: {  	_ =	shalt  }
0x80: {  	_ =	shalt  }
0x81: {  	_ =	shalt  }
0x82: {  	_ =	shalt  }
0x83: {  	_ =	shalt  }
0x84: {  	_ =	shalt  }
0x85: {  	_ =	shalt  }
0x86: {  	_ =	shalt  }
0x87: {  	_ =	shalt  }
.Lfunc_end0:
.L_simem_size_0:
called_computation.1_lowered:
.L_overlay_start_0:
0x88: {  	s2 =	sld [smem:$0x3FD9]  }
0x89: {  	s3 =	sld [smem:$0x3FFE];
	_ =	sdelay $0x1  }
0x8a: {  	s1 =	srdreg.scid  }
0x8b: {  	s0 =	sand.u32 $0x1, s1  }
0x8c: {  	s16 =	sshll.u32 s0, $0xA;
	s2 =	sadd.s32 s3, s2  }
0x8d: {  	s2 =	sadd.s32 s2, s16  }
0x8e: {  	[smem:$0x3FC2] =	sst s2  }
0x8f: {  	_ = 	snop  }
0x90: {  	(tm) =	ssettm $0x1  }
0x91: {  	s17 =	sld [smem:$0x3FFB];
	_ =	sdelay $0x3  }
0x92: {  	_ =	strace s17  }
0x93: {  	s2 =	sld [smem:$0x3FFC];
	_ =	sdelay $0x3  }
0x94: {  	_ =	strace s2  }
0x95: {  	s2 =	sld [smem:$0x3FFD];
	_ =	sdelay $0x3  }
0x96: {  	_ =	strace s2  }
0x97: {  	_ =	strace $0x8FFFFFFF  }
0x98: {  	s18 =	sld [smem:$0x3FDB];
	_ =	sdelay $0x1  }
0x99: {  	s19 =	simm.s32 $_scs_section_size  }
0x9a: {  	s4 =	simm.s32 $_size__tile_overlayer_lowered;
	s5 =	simm.s32 $_tile_overlayer_lowered  }
0x9b: {  	s22 =	simm.s32 $0x1BFF;
	s21 =	sshll.u32 s5, $0x1;
	s2 =	sadd.s32 s19, s18  }
0x9c: {  	s6 =	simm.s32 $0x0;
	s20 =	sshll.u32 s4, $0x1;
	s4 =	sadd.s32 s21, s2  }
0x9d: {  	[timem:s6], [sflag:s22] =	dma.local [hbm:s4], s20  }
0x9e: {  	_ =	swait.ge [sflag:s22], s20  }
0x9f: {  	s3 =	ssub.s32 $0x0, s20;
	[sflag:s22] =	ssyncset.done $0x0  }
0xa0: {  	[sflag:s22] =	ssyncadd.s32 s3;
	_ =	sdelay $0x1  }
0xa1: {  	s23 =	simm.s32 $0x1B8B  }
0xa2: {  	_ =	swait.ge [sflag:s23], $0x1  }
0xa3: {  	[sflag:s23] =	ssyncset.done $0x0  }
0xa4: {  	s25 =	simm.s32 $0x1B8E;
	s24 =	sld [smem:$0x3FFE];
	[sflag:s23] =	ssyncadd.s32 $0xFFFFFFFF  }
0xa5: {  	s26 =	simm.s32 $execute0_lowered;
	[smem:$0x3FD2] =	sst s25  }
0xa6: {  	s4 =	sshll.u32 s26, $0x1;
	_ =	strace $0x80000049;
	[dreg:$0x1] =	wrdreg $0xFFFFFFFF  }
0xa7: {  	s28 =	simm.s32 $_size_execute0_lowered;
	s2 =	sadd.s32 s2, s4;
	[dreg:$0x0] =	wrdreg $0x0  }
0xa8: {  	s4 =	sshll.u32 s28, $0x1;
	[dreg:$0x2] =	wrdreg s2  }
0xa9: {  	[dreg:$0x3] =	wrdreg s4  }
0xaa: {  	[dreg:$0x4] =	wrdreg $0xC0  }
0xab: {  	_ =	task [dreg:s6], $0x5FFFF  }
0xac: {  	[dreg:$0x1] =	wrdreg $0xFFFFFFFF  }
0xad: {  	[dreg:$0x0] =	wrdreg $0x60  }
0xae: {  	[dreg:$0x2] =	wrdreg s24  }
0xaf: {  	[dreg:$0x3] =	wrdreg $0x29000  }
0xb0: {  	[dreg:$0x4] =	wrdreg $0x9  }
0xb1: {  	_ =	task.clear_ibuf [dreg:s6], $0x5FFFF;
	_ =	strace $0x90000049  }
0xb2: {  	s29 =	simm.s32 $0x9;
	_ =	strace $0x8000004B  }
0xb3: {  	_ =	swait.ge [sflag:s29], $0x1  }
0xb4: {  	[sflag:s29] =	ssyncadd.s32 $0xFFFFFFFF  }
0xb5: {  	_ =	strace $0x9000004B  }
0xb6: {  	_ =	sfence  }
0xb7: {  	s30 =	sld [smem:$0x0];
	_ =	sdelay $0x2  }
0xb8: {  	s31 =	sshll.u32 s1, $0xD;
	s1 =	sshrl.u32 s1, $0x2  }
0xb9: {  	s3 =	sand.u32 $0x4000, s31;
	s1 =	sadd.s32 s1, s30  }
0xba: {  	s0 =	sor.u32 s3, s0;
	s1 =	sshll.u32 s1, $0x11  }
0xbb: {  	s0 =	sor.u32 s1, s0  }
0xbc: {  	s0 =	sadd.s32 $0x8F2B, s0  }
0xbd: {  	[sflag:s0] =	ssyncadd.remote.s32 $0x1  }
0xbe: {  	_ =	sfence.sel $0xFFFF  }
0xbf: {  	[dreg:$0x0] =	wrdreg $0xFFFFFFFF;
	(pc) =	sbr.abs _section_cstart, $3  }
0xc0: {  	[dreg:$0x1] =	wrdreg $0xFFFFFFFF  }
0xc1: {  	_ =	task.clear_ibuf [dreg:s6], $0x2FFFF;
	_ =	strace $0x9FFFFFFF  }
0xc2: {  	(tm) =	ssettm $0x7FFFFFFF  }
0xc3: {  	_ =	shalt  }
tec
execute0_lowered:
.L_overlay_start_1:
0x0: {  	(tag) =	ssettag $0x1  }
0x1: {  	s5 =	rddreg [dreg:$0x0]  }
0x2: {  	s2 =	rddreg [dreg:$0x1]  }
0x3: {  	s0 =	rddreg [dreg:$0x2]  }
0x4: {  	s1 =	stileid.u32;
	s4 =	srdreg.scid;
	s3 =	simm.s32 $0x0  }
0x5: {  	s14 =	simm.s32 $0x2;
	s16 =	simm.s32 $0x80;
	s17 =	simm.s32 $0x50  }
0x6: {  	s19 =	simm.s32 $0x1;
	s20 =	simm.s32 $0x0;
	s6 =	smul.u32 $0x9C4, s1  }
0x7: {  	s7 =	sand.u32 $0x1, s4;
	[smem:$0x7FF] =	sst s3;
	s8 =	smul.u32 $0x4E000, s1  }
0x8: {  	s4 =	sadd.s32 $0x15C00, s5;
	s10 =	smul.u32 $0x270, s1;
	s11 =	sadd.s32 $0x63E00, s5  }
0x9: {  	s30 =	sshll.u32 s1, $0x6;
	s15 =	sadd.s32 $0x138000, s2;
	p0 =	sne.s32 s1, $0xF  }
0xa: {  	s18 =	smul.u32 $0x2710, s7;
	_ =	strace $0x8000004A;
	s9 =	ssub.s32 $0x2, s7  }
0xb: {  	s7 =	smul.u32 $0x138800, s7;
	s15 =	sshrl.u32 @!p0 s15, $0x3;
	s12 =	sadd.s32 s6, s5  }
0xc: {  	s25 =	sshrl.u32 s9, $0x1;
	s26 =	sshrl.u32 s8, $0x2;
	s6 =	sor.u32 $0x1C02, s30  }
0xd: {  	s28 =	sadd.s32 s10, s18;
	s29 =	ssub.s32 s9, s25;
	s13 =	sadd.s32 s26, s2  }
0xe: {  	s7 =	sshrl.u32 s7, $0x3;
	v0 =	vmov s18;
	s18 =	simm.s32 $0x100;
	s8 =	sshll.u32 s28, $0x4  }
0xf: {  	s31 =	sadd.s32 $0x27000, s7;
	s10 =	smax.u32 s29, $0x1;
	s13 =	sshrl.u32 s13, $0x3  }
0x10: {  	s5 =	sadd.s32 s4, s8;
	s7 =	sadd.s32 s4, s31;
	s8 =	sadd.s32 s11, s8  }
0x11: {  	s9 =	sadd.s32 s11, s31;
	s11 =	sadd.s32 $0xBE00, s12;
	s12 =	sadd.s32 $0x2000, s12  }
.LBB2_1:
0x12: {  	[spmem:s13], [sflag:s6] =	dma.local [hbm:s5], $0x2700  }
0x13: {  	_ =	swait.ge [sflag:s14], $0x2700  }
0x14: {  	[sflag:s14] =	ssyncset.done $0x0  }
0x15: {  	s21 =	simm.s32 @!p0 $0x2;
	[sflag:s14] =	ssyncadd.s32 $0xFFFFD900  }
0x16: {  	[spmem:s15], [sflag:s6] =	dma.local @!p0 [hbm:s7], $0x100  }
0x17: {  	_ =	swait.ge @!p0 [sflag:s21], $0x100  }
0x18: {  	[sflag:s21] =	ssyncset.done @!p0 $0x0  }
0x19: {  	[sflag:s21] =	ssyncadd.s32 @!p0 $0xFFFFFF00  }
0x1a: {  	s30 =	sadd.s32 $0x0, s12;
	[bflag:$0x0] =	sbarrier.arrive $0xFFFF  }
0x1b: {  	[tilespmem:s3], [sflag:$0x2] =	stream.linear.gather [hbm4b:s30+s3], $0x50, $0x38;
	[tilespmem:$0x16180] =	vst v63  }
0x1c: {  	_ =	swait.ge [sflag:s14], $0x50  }
0x1d: {  	[sflag:s14] =	ssyncset.done $0x0  }
0x1e: {  	s31 =	sadd.s32 $0x0, s11;
	[sflag:s14] =	ssyncadd.s32 $0xFFFFFFB0  }
0x1f: {  	[tilespmem:s16], [sflag:$0x2] =	stream.linear.gather [hbm4b:s31+s3], $0x50, $0x38;
	[tilespmem:$0x16180] =	vst v63  }
0x20: {  	_ =	swait.ge [sflag:s14], $0x50  }
0x21: {  	[sflag:s14] =	ssyncset.done $0x0  }
0x22: {  	[sflag:s14] =	ssyncadd.s32 $0xFFFFFFB0  }
0x23: {  	v1 =	vld [tilespmem:$0x40]  }
0x24: {  	v2 =	vld [tilespmem:$0x20]  }
0x25: {  	v3 =	vld [tilespmem:$0x30]  }
0x26: {  	v4 =	vld [tilespmem:$0x10]  }
0x27: {  	v5 =	vld [tilespmem:$0x0]  }
0x28: {  	v1 =	vadd.s32 v0, v1  }
0x29: {  	v2 =	vadd.s32 v0, v2;
	[tilespmem:$0x40] =	vst v1  }
0x2a: {  	[tilespmem:$0x20] =	vst v2;
	v1 =	vadd.s32 v0, v3  }
0x2b: {  	v2 =	vadd.s32 v0, v4;
	[tilespmem:$0x30] =	vst v1  }
0x2c: {  	v1 =	vadd.s32 v0, v5;
	[tilespmem:$0x10] =	vst v2  }
0x2d: {  	[tilespmem:$0x0] =	vst v1  }
0x2e: {  	[tilespmem:s18], [sflag:$0x1] =	stream.indirect.gather [hbm4b:s4+s17], $0x80, s3, s17, $0xb8;
	[tilespmem:$0x16180] =	vst v63  }
0x2f: {  	_ =	swait.ge [sflag:s19], $0x2800  }
0x30: {  	s21 =	simm.s32 $0xA;
	[sflag:s19] =	ssyncset.done $0x0  }
.LBB2_2:
0x31: {  	p1 =	sne.s32 s21, $0x9BA  }
0x32: {  	[sflag:s19] =	ssyncadd.s32 $0xFFFFD800;
	s22 =	smov.u32 s21;
	s21 =	sadd.s32 $0xA, s21  }
0x33: {  	[spmem:s2] =	stream.indirect.scatter.add.f32 [tilespmem:s18], [sflag:$0x2], $0x80, s16, s17, $0xb8;
	[tilespmem:$0x16180] =	vst v63  }
0x34: {  	_ =	swait.ge [sflag:s14], $0x2800  }
0x35: {  	[sflag:s14] =	ssyncset.done $0x0  }
0x36: {  	s23 =	sadd.s32 s22, s12;
	[sflag:s14] =	ssyncadd.s32 $0xFFFFD800  }
0x37: {  	[tilespmem:s3], [sflag:$0x2] =	stream.linear.gather [hbm4b:s23+s3], $0x50, $0x38;
	[tilespmem:$0x16180] =	vst v63  }
0x38: {  	_ =	swait.ge [sflag:s14], $0x50  }
0x39: {  	[sflag:s14] =	ssyncset.done $0x0  }
0x3a: {  	s22 =	sadd.s32 s22, s11;
	[sflag:s14] =	ssyncadd.s32 $0xFFFFFFB0  }
0x3b: {  	[tilespmem:s16], [sflag:$0x2] =	stream.linear.gather [hbm4b:s22+s3], $0x50, $0x38;
	[tilespmem:$0x16180] =	vst v63  }
0x3c: {  	_ =	swait.ge [sflag:s14], $0x50  }
0x3d: {  	[sflag:s14] =	ssyncset.done $0x0  }
0x3e: {  	[sflag:s14] =	ssyncadd.s32 $0xFFFFFFB0  }
0x3f: {  	v1 =	vld [tilespmem:$0x40]  }
0x40: {  	v2 =	vld [tilespmem:$0x20]  }
0x41: {  	v3 =	vld [tilespmem:$0x30]  }
0x42: {  	v4 =	vld [tilespmem:$0x10]  }
0x43: {  	v5 =	vld [tilespmem:$0x0]  }
0x44: {  	v1 =	vadd.s32 v0, v1  }
0x45: {  	v2 =	vadd.s32 v0, v2;
	[tilespmem:$0x40] =	vst v1  }
0x46: {  	[tilespmem:$0x20] =	vst v2;
	v1 =	vadd.s32 v0, v3  }
0x47: {  	v2 =	vadd.s32 v0, v4;
	[tilespmem:$0x30] =	vst v1  }
.Ltmp0:
0x48: {  	v1 =	vadd.s32 v0, v5;
	[tilespmem:$0x10] =	vst v2;
	(pc) =	sbr.rel @p1 .LBB2_2-.Ltmp0, $4  }
0x49: {  	[tilespmem:$0x0] =	vst v1  }
0x4a: {  	[tilespmem:s18], [sflag:$0x1] =	stream.indirect.gather [hbm4b:s4+s17], $0x80, s3, s17, $0xb8;
	[tilespmem:$0x16180] =	vst v63  }
0x4b: {  	_ =	swait.ge [sflag:s19], $0x2800  }
0x4c: {  	[sflag:s19] =	ssyncset.done $0x0  }
0x4d: {  	[sflag:s19] =	ssyncadd.s32 $0xFFFFD800  }
0x4e: {  	[spmem:s2] =	stream.indirect.scatter.add.f32 [tilespmem:s18], [sflag:$0x2], $0x80, s16, s17, $0xb8;
	[tilespmem:$0x16180] =	vst v63  }
0x4f: {  	_ =	swait.ge [sflag:s14], $0x2800  }
0x50: {  	[sflag:s14] =	ssyncset.done $0x0  }
0x51: {  	[sflag:s14] =	ssyncadd.s32 $0xFFFFD800  }
0x52: {  	[bflag:$0x0] =	sbarrier.arrive $0xFFFF  }
0x53: {  	[hbm:s8], [sflag:s6] =	dma.local [spmem:s13], $0x2700  }
0x54: {  	s20 =	sadd.s32 $0x1, s20;
	_ =	swait.ge [sflag:s14], $0x2700  }
0x55: {  	p1 =	sne.s32 s20, s10;
	[sflag:s14] =	ssyncset.done $0x0  }
.Ltmp1:
0x56: {  	s21 =	simm.s32 @!p0 $0x2;
	[sflag:s14] =	ssyncadd.s32 $0xFFFFD900;
	(pc) =	sbr.rel @p1 .LBB2_1-.Ltmp1, $4  }
0x57: {  	[hbm:s9], [sflag:s6] =	dma.local @!p0 [spmem:s15], $0x100  }
0x58: {  	_ =	swait.ge @!p0 [sflag:s21], $0x100  }
0x59: {  	[sflag:s21] =	ssyncset.done @!p0 $0x0  }
0x5a: {  	[sflag:s21] =	ssyncadd.s32 @!p0 $0xFFFFFF00  }
0x5b: {  	_ =	sfence.sel $0x180000  }
0x5c: {  	[bflag:$0x0] =	sbarrier.arrive $0xFFFF  }
0x5d: {  	p0 =	sne.s32 s1, $0x0;
	_ =	strace $0x9000004A  }
0x5e: {  	s0 =	sadd.s32 @!p0 $0x100000, s0;
	[bflag:$0x2] =	sbarrier.arrive $0xFFFF  }
0x5f: {  	[sflag:s0] =	ssyncadd.tile.s32 @!p0 $0x1;
	_ =	shalt  }
.Lfunc_end2:
_tile_overlayer_lowered:
.L_overlay_start_2:
0x60: {  	(tag) =	ssettag $0x2  }
0x61: {  	s0 =	rddreg [dreg:$0x0];
	s2 =	stileid.u32  }
0x62: {  	s1 =	rddreg [dreg:$0x1];
	p0 =	sne.s32 s2, $0x0  }
0x63: {  	s3 =	rddreg [dreg:$0x2];
	[bflag:$0x3] =	sbarrier.arrive $0xFFFF;
	s2 =	simm.s32 @!p0 $0x1C02  }
0x64: {  	[timem:s3], [sflag:s2] =	dma.local @!p0 [hbm:s0], s1  }
0x65: {  	s0 =	simm.s32 @!p0 $0x2  }
0x66: {  	_ =	swait.ge @!p0 [sflag:s0], s1  }
0x67: {  	s1 =	ssub.s32 @!p0 $0x0, s1;
	[sflag:s0] =	ssyncset.done @!p0 $0x0  }
0x68: {  	[sflag:s0] =	ssyncadd.s32 @!p0 s1  }
0x69: {  	[bflag:$0x3] =	sbarrier.arrive $0xFFFF  }
0x6a: {  	_ =	shalt  }

// kernel: kernel.14.cloned.1.call-start
scs
__scs_entry_jumppad:
0x0: {  	(pc) =	sbr.rel $0x88, $3  }
0x1: {  	(tag) =	ssettag $0x0;
	lr =	simm.s32 $0x1  }
0x2: {  	[smem:$0x3F9B] =	sst lr;
	_ =	strace $0xD0000000  }
0x3: {  	_ = 	snop  }
0x4: {  	_ = 	snop  }
0x5: {  	_ = 	snop  }
0x6: {  	_ = 	snop  }
0x7: {  	_ = 	snop  }
__scs_overlays_trampoline_lowered:
0x8: {  	[smem:$0x3FAA] =	sst s0  }
0x9: {  	[smem:$0x3FAB] =	sst s1  }
0xa: {  	[smem:$0x3FAC] =	sst s2  }
0xb: {  	[smem:$0x3FAD] =	sst s3  }
0xc: {  	[smem:$0x3FAE] =	sst s4  }
0xd: {  	[smem:$0x3FAF] =	sst s5  }
0xe: {  	[smem:$0x3FB0] =	sst s6  }
0xf: {  	[smem:$0x3FB1] =	sst s7  }
0x10: {  	[smem:$0x3FB2] =	sst s8  }
0x11: {  	[smem:$0x3FB3] =	sst s9;
	s0 =	simm.s32 @!p0 $0x0  }
0x12: {  	s1 =	sld [smem:$0x3F99];
	s0 =	simm.s32 @p0 $0x1  }
0x13: {  	[smem:$0x3FB4] =	sst s0;
	s0 =	simm.s32 @!p1 $0x0  }
0x14: {  	s2 =	sld [smem:$0x3F98];
	s0 =	simm.s32 @p1 $0x1  }
0x15: {  	[smem:$0x3FB5] =	sst s0;
	s0 =	simm.s32 @!p2 $0x0  }
0x16: {  	s3 =	sld [smem:$0x3FDB];
	s0 =	simm.s32 @p2 $0x1  }
0x17: {  	s4 =	simm.s32 $0x1BF5;
	[smem:$0x3FB7] =	sst s0  }
0x18: {  	s0 =	sld [smem:$0x3F9A];
	_ =	swait.ge [sflag:s4], $0x0  }
0x19: {  	s7 =	sld [smem:$0x3F9B]  }
0x1a: {  	s8 =	sadd.s32 $0xFFFFE003, lr  }
0x1b: {  	s9 =	sadd.s32 $0xFFFFFEF7, lr;
	s5 =	simm.s32 $0xFFFFFFFF;
	p2 =	slt.u32 s8, $0xFFFFF086  }
0x1c: {  	p1 =	slt.u32 s9, $0xF7A;
	s5 =	simm.s32 @!p2 $0x0  }
0x1d: {  	s5 =	simm.s32 @p1 $0x1;
	p0 =	seq.s32 s7, s2  }
0x1e: {  	s7 =	smul.u32 @!p0 $0xF7A, s2;
	p2 =	seq.s32 @!p0 s5, $0x0  }
0x1f: {  	s9 =	smul.u32 $0xF7A, s1;
	s8 =	simm.s32 @!p0 $0x1BF5;
	p2 =	por !p2, p0  }
0x20: {  	[sflag:s8] =	ssyncset.s32 @!p0 $0xFFFFF086;
	s6 =	sadd.s32 @!p0 s3, s7;
	s7 =	simm.s32 @!p0 $0x108  }
0x21: {  	s3 =	sadd.s32 s3, s9;
	s6 =	sadd.s32 @!p0 $0x88, s6;
	s7 =	simm.s32 @p2 $0x1082  }
0x22: {  	[simem:s7], [sflag:s8] =	dma.local @!p0 [hbm:s6], $0xF7A  }
0x23: {  	s9 =	sor.u32 $0xD0000000, s2;
	s6 =	simm.s32 $0x108;
	_ =	swait.ge @!p0 [sflag:s8], $0x0  }
0x24: {  	s3 =	sadd.s32 $0x88, s3;
	s6 =	simm.s32 @!p1 $0x1082;
	[sflag:s4] =	ssyncset.s32 $0xFFFFF086  }
0x25: {  	[simem:s6], [sflag:s4] =	dma.local [hbm:s3], $0xF7A  }
0x26: {  	[smem:$0x3F9B] =	sst s1;
	(tag) =	ssettag s2;
	_ =	strace s9  }
0x27: {  	s1 =	sld [smem:$0x3FAB]  }
0x28: {  	s2 =	sld [smem:$0x3FAC]  }
0x29: {  	s4 =	sld [smem:$0x3FAE]  }
0x2a: {  	p0 =	seq.s32 s5, $0x0;
	s5 =	sld [smem:$0x3FAF]  }
0x2b: {  	s6 =	sld [smem:$0x3FB0]  }
0x2c: {  	s7 =	sld [smem:$0x3FB1]  }
0x2d: {  	s3 =	simm.s32 $0x108;
	s8 =	sld [smem:$0x3FB2]  }
0x2e: {  	s3 =	simm.s32 @!p0 $0x1082;
	s9 =	sld [smem:$0x3FB3]  }
0x2f: {  	lr =	sadd.s32 s0, s3;
	s0 =	sld [smem:$0x3FAA]  }
0x30: {  	s3 =	sld [smem:$0x3FAD]  }
0x31: {  	[smem:$0x3FB6] =	sst s10  }
0x32: {  	s10 =	sld [smem:$0x3FB4];
	_ =	sdelay $0x3  }
0x33: {  	p0 =	seq.s32 s10, $0x1;
	s10 =	sld [smem:$0x3FB6];
	_ =	sdelay $0x3  }
0x34: {  	[smem:$0x3FB6] =	sst s10  }
0x35: {  	s10 =	sld [smem:$0x3FB5];
	_ =	sdelay $0x3  }
0x36: {  	p1 =	seq.s32 s10, $0x1;
	s10 =	sld [smem:$0x3FB6];
	_ =	sdelay $0x3  }
0x37: {  	[smem:$0x3FB6] =	sst s10  }
0x38: {  	s10 =	sld [smem:$0x3FB7]  }
0x39: {  	_ = 	snop;
	(pc) =	sbr.ind lr, $3  }
0x3a: {  	_ = 	snop  }
0x3b: {  	_ = 	snop  }
0x3c: {  	p2 =	seq.s32 s10, $0x1;
	s10 =	sld [smem:$0x3FB6]  }
0x3d: {  	_ =	shalt  }
0x3e: {  	_ =	shalt  }
0x3f: {  	_ =	shalt  }
0x40: {  	_ =	shalt  }
0x41: {  	_ =	shalt  }
0x42: {  	_ =	shalt  }
0x43: {  	_ =	shalt  }
0x44: {  	_ =	shalt  }
0x45: {  	_ =	shalt  }
0x46: {  	_ =	shalt  }
0x47: {  	_ =	shalt  }
0x48: {  	_ =	shalt  }
0x49: {  	_ =	shalt  }
0x4a: {  	_ =	shalt  }
0x4b: {  	_ =	shalt  }
0x4c: {  	_ =	shalt  }
0x4d: {  	_ =	shalt  }
0x4e: {  	_ =	shalt  }
0x4f: {  	_ =	shalt  }
0x50: {  	_ =	shalt  }
0x51: {  	_ =	shalt  }
0x52: {  	_ =	shalt  }
0x53: {  	_ =	shalt  }
0x54: {  	_ =	shalt  }
0x55: {  	_ =	shalt  }
0x56: {  	_ =	shalt  }
0x57: {  	_ =	shalt  }
0x58: {  	_ =	shalt  }
0x59: {  	_ =	shalt  }
0x5a: {  	_ =	shalt  }
0x5b: {  	_ =	shalt  }
0x5c: {  	_ =	shalt  }
0x5d: {  	_ =	shalt  }
0x5e: {  	_ =	shalt  }
0x5f: {  	_ =	shalt  }
0x60: {  	_ =	shalt  }
0x61: {  	_ =	shalt  }
0x62: {  	_ =	shalt  }
0x63: {  	_ =	shalt  }
0x64: {  	_ =	shalt  }
0x65: {  	_ =	shalt  }
0x66: {  	_ =	shalt  }
0x67: {  	_ =	shalt  }
0x68: {  	_ =	shalt  }
0x69: {  	_ =	shalt  }
0x6a: {  	_ =	shalt  }
0x6b: {  	_ =	shalt  }
0x6c: {  	_ =	shalt  }
0x6d: {  	_ =	shalt  }
0x6e: {  	_ =	shalt  }
0x6f: {  	_ =	shalt  }
0x70: {  	_ =	shalt  }
0x71: {  	_ =	shalt  }
0x72: {  	_ =	shalt  }
0x73: {  	_ =	shalt  }
0x74: {  	_ =	shalt  }
0x75: {  	_ =	shalt  }
0x76: {  	_ =	shalt  }
0x77: {  	_ =	shalt  }
0x78: {  	_ =	shalt  }
0x79: {  	_ =	shalt  }
0x7a: {  	_ =	shalt  }
0x7b: {  	_ =	shalt  }
0x7c: {  	_ =	shalt  }
0x7d: {  	_ =	shalt  }
0x7e: {  	_ =	shalt  }
0x7f: {  	_ =	shalt  }
0x80: {  	_ =	shalt  }
0x81: {  	_ =	shalt  }
0x82: {  	_ =	shalt  }
0x83: {  	_ =	shalt  }
0x84: {  	_ =	shalt  }
0x85: {  	_ =	shalt  }
0x86: {  	_ =	shalt  }
0x87: {  	_ =	shalt  }
.Lfunc_end0:
.L_simem_size_0:
called_computation.2_lowered:
.L_overlay_start_0:
0x88: {  	s2 =	sld [smem:$0x3FD9]  }
0x89: {  	s3 =	sld [smem:$0x3FFE];
	_ =	sdelay $0x1  }
0x8a: {  	s1 =	srdreg.scid  }
0x8b: {  	s0 =	sand.u32 $0x1, s1  }
0x8c: {  	s17 =	sshll.u32 s0, $0xA;
	s2 =	sadd.s32 s3, s2  }
0x8d: {  	s2 =	sadd.s32 s2, s17  }
0x8e: {  	[smem:$0x3FC2] =	sst s2  }
0x8f: {  	_ = 	snop  }
0x90: {  	s2 =	sld [smem:$0x3FD0];
	(tm) =	ssettm $0x1  }
0x91: {  	s18 =	sld [smem:$0x3FFB];
	_ =	sdelay $0x3  }
0x92: {  	_ =	strace s18  }
0x93: {  	s3 =	sld [smem:$0x3FFC];
	_ =	sdelay $0x3  }
0x94: {  	_ =	strace s3  }
0x95: {  	s3 =	sld [smem:$0x3FFD];
	_ =	sdelay $0x3  }
0x96: {  	_ =	strace s3  }
0x97: {  	_ =	strace $0x8FFFFFFF  }
0x98: {  	s19 =	sld [smem:$0x3FDB];
	_ =	sdelay $0x1  }
0x99: {  	s4 =	simm.s32 $_scs_section_size  }
0x9a: {  	s5 =	simm.s32 $_size__tile_overlayer_lowered;
	s6 =	simm.s32 $_tile_overlayer_lowered  }
0x9b: {  	s22 =	simm.s32 $0x1BFF;
	s21 =	sshll.u32 s6, $0x1;
	s3 =	sadd.s32 s4, s19  }
0x9c: {  	s7 =	simm.s32 $0x0;
	s20 =	sshll.u32 s5, $0x1;
	s5 =	sadd.s32 s21, s3  }
0x9d: {  	[timem:s7], [sflag:s22] =	dma.local [hbm:s5], s20  }
0x9e: {  	_ =	swait.ge [sflag:s22], s20  }
0x9f: {  	s4 =	ssub.s32 $0x0, s20;
	[sflag:s22] =	ssyncset.done $0x0  }
0xa0: {  	[sflag:s22] =	ssyncadd.s32 s4;
	_ =	sdelay $0x1  }
0xa1: {  	s23 =	simm.s32 $0x1B8B  }
0xa2: {  	_ =	swait.ge [sflag:s23], $0x1  }
0xa3: {  	[sflag:s23] =	ssyncset.done $0x0  }
0xa4: {  	s25 =	simm.s32 $0x1B8E;
	s24 =	sld [smem:$0x3FFE];
	[sflag:s23] =	ssyncadd.s32 $0xFFFFFFFF  }
0xa5: {  	s26 =	simm.s32 $execute0_lowered;
	[smem:$0x3FD2] =	sst s25  }
0xa6: {  	s5 =	sshll.u32 s26, $0x1;
	_ =	strace $0x8000004C;
	[dreg:$0x1] =	wrdreg $0xFFFFFFFF  }
0xa7: {  	s28 =	simm.s32 $_size_execute0_lowered;
	s3 =	sadd.s32 s3, s5;
	[dreg:$0x0] =	wrdreg $0x0  }
0xa8: {  	s5 =	sshll.u32 s28, $0x1;
	[dreg:$0x2] =	wrdreg s3  }
0xa9: {  	[dreg:$0x3] =	wrdreg s5  }
0xaa: {  	[dreg:$0x4] =	wrdreg $0xC0  }
0xab: {  	_ =	task [dreg:s7], $0x5FFFF  }
0xac: {  	[dreg:$0x1] =	wrdreg $0xFFFFFFFF  }
0xad: {  	[dreg:$0x0] =	wrdreg $0x60  }
0xae: {  	[dreg:$0x2] =	wrdreg s2  }
0xaf: {  	[dreg:$0x3] =	wrdreg s24  }
0xb0: {  	[dreg:$0x4] =	wrdreg $0x29000  }
0xb1: {  	[dreg:$0x5] =	wrdreg $0x9  }
0xb2: {  	_ =	task.clear_ibuf [dreg:s7], $0x6FFFF;
	_ =	strace $0x9000004C  }
0xb3: {  	s29 =	simm.s32 $0x9;
	_ =	strace $0x8000004E  }
0xb4: {  	_ =	swait.ge [sflag:s29], $0x1  }
0xb5: {  	[sflag:s29] =	ssyncadd.s32 $0xFFFFFFFF  }
0xb6: {  	_ =	strace $0x9000004E  }
0xb7: {  	_ =	sfence  }
0xb8: {  	s30 =	sld [smem:$0x0];
	_ =	sdelay $0x2  }
0xb9: {  	s31 =	sshll.u32 s1, $0xD;
	s1 =	sshrl.u32 s1, $0x2  }
0xba: {  	s3 =	sand.u32 $0x4000, s31;
	s1 =	sadd.s32 s1, s30  }
0xbb: {  	s0 =	sor.u32 s3, s0;
	s1 =	sshll.u32 s1, $0x11  }
0xbc: {  	s0 =	sor.u32 s1, s0  }
0xbd: {  	s0 =	sadd.s32 $0x8F2B, s0  }
0xbe: {  	[sflag:s0] =	ssyncadd.remote.s32 $0x1  }
0xbf: {  	_ =	sfence.sel $0xFFFF  }
0xc0: {  	[dreg:$0x0] =	wrdreg $0xFFFFFFFF;
	(pc) =	sbr.abs _section_cstart, $3  }
0xc1: {  	[dreg:$0x1] =	wrdreg $0xFFFFFFFF  }
0xc2: {  	_ =	task.clear_ibuf [dreg:s7], $0x2FFFF;
	_ =	strace $0x9FFFFFFF  }
0xc3: {  	(tm) =	ssettm $0x7FFFFFFF  }
tec
execute0_lowered:
.L_overlay_start_1:
0x0: {  	(tag) =	ssettag $0x1  }
0x1: {  	s1 =	rddreg [dreg:$0x0]  }
0x2: {  	s6 =	rddreg [dreg:$0x1]  }
0x3: {  	s0 =	srdreg.scid;
	s3 =	rddreg [dreg:$0x2]  }
0x4: {  	s2 =	rddreg [dreg:$0x3];
	s4 =	simm.s32 $0x0;
	s16 =	simm.s32 $0x80  }
0x5: {  	s17 =	simm.s32 $0x50;
	s18 =	simm.s32 $0x100;
	s5 =	sand.u32 $0x1, s0  }
0x6: {  	s19 =	simm.s32 $0x1;
	s0 =	stileid.u32;
	s7 =	smul.u32 $0x27100, s5  }
0x7: {  	s20 =	simm.s32 $0x0;
	[smem:$0x7FF] =	sst s4;
	s8 =	smul.u32 $0x2710, s0  }
0x8: {  	s9 =	sadd.s32 $0x15C00, s6;
	s15 =	sadd.s32 $0x138000, s3;
	s28 =	smul.u32 $0x4E000, s0  }
0x9: {  	_ =	strace $0x8000004D;
	s29 =	ssub.s32 $0x2, s5;
	s10 =	smul.u32 $0x2700, s0  }
0xa: {  	s13 =	smul.u32 $0x138800, s5;
	s30 =	sshll.u32 s0, $0x6;
	p0 =	sne.s32 s0, $0xF  }
0xb: {  	s11 =	sshrl.u32 s29, $0x1;
	s15 =	sshrl.u32 @!p0 s15, $0x3;
	s8 =	sadd.s32 s8, s7  }
0xc: {  	s11 =	ssub.s32 s29, s11;
	s5 =	sadd.s32 s1, s10;
	s31 =	sshrl.u32 s13, $0x3  }
0xd: {  	s10 =	sadd.s32 s10, s7;
	s7 =	sadd.s32 $0x27000, s1;
	s8 =	sshrl.u32 s8, $0x3  }
0xe: {  	s13 =	sadd.s32 s9, s31;
	s12 =	sadd.s32 s8, s6;
	s8 =	sshrl.u32 s28, $0x2  }
0xf: {  	s6 =	sor.u32 $0x1C02, s30;
	s14 =	sadd.s32 s8, s3;
	s8 =	sadd.s32 s9, s10  }
0x10: {  	s9 =	sadd.s32 $0x27000, s13;
	s10 =	smax.u32 s11, $0x1;
	s11 =	sadd.s32 $0xBE00, s12  }
0x11: {  	s12 =	sadd.s32 $0x2000, s12;
	s13 =	sshrl.u32 s14, $0x3;
	s14 =	simm.s32 $0x2  }
.LBB2_1:
0x12: {  	[spmem:s13], [sflag:s6] =	dma.local [hbm:s5], $0x2700  }
0x13: {  	_ =	swait.ge [sflag:s14], $0x2700  }
0x14: {  	[sflag:s14] =	ssyncset.done $0x0  }
0x15: {  	s21 =	simm.s32 @!p0 $0x2;
	[sflag:s14] =	ssyncadd.s32 $0xFFFFD900  }
0x16: {  	[spmem:s15], [sflag:s6] =	dma.local @!p0 [hbm:s7], $0x100  }
0x17: {  	_ =	swait.ge @!p0 [sflag:s21], $0x100  }
0x18: {  	[sflag:s21] =	ssyncset.done @!p0 $0x0  }
0x19: {  	[sflag:s21] =	ssyncadd.s32 @!p0 $0xFFFFFF00  }
0x1a: {  	s30 =	sadd.s32 $0x0, s12;
	[bflag:$0x0] =	sbarrier.arrive $0xFFFF  }
0x1b: {  	[tilespmem:s4], [sflag:$0x2] =	stream.linear.gather [hbm4b:s30+s4], $0x50, $0x38;
	[tilespmem:$0x16180] =	vst v63  }
0x1c: {  	_ =	swait.ge [sflag:s14], $0x50  }
0x1d: {  	[sflag:s14] =	ssyncset.done $0x0  }
0x1e: {  	s31 =	sadd.s32 $0x0, s11;
	[sflag:s14] =	ssyncadd.s32 $0xFFFFFFB0  }
0x1f: {  	[tilespmem:s16], [sflag:$0x2] =	stream.linear.gather [hbm4b:s31+s4], $0x50, $0x38;
	[tilespmem:$0x16180] =	vst v63  }
0x20: {  	_ =	swait.ge [sflag:s14], $0x50  }
0x21: {  	[sflag:s14] =	ssyncset.done $0x0  }
0x22: {  	[sflag:s14] =	ssyncadd.s32 $0xFFFFFFB0  }
0x23: {  	[tilespmem:s18], [sflag:$0x1] =	stream.indirect.gather [hbm4b:s1+s17], $0x80, s4, s17, $0xb8;
	[tilespmem:$0x16180] =	vst v63  }
0x24: {  	_ =	swait.ge [sflag:s19], $0x2800  }
0x25: {  	[sflag:s19] =	ssyncset.done $0x0  }
0x26: {  	[sflag:s19] =	ssyncadd.s32 $0xFFFFD800  }
0x27: {  	[spmem:s3] =	stream.indirect.scatter.add.f32 [tilespmem:s18], [sflag:$0x2], $0x80, s16, s17, $0xb8;
	[tilespmem:$0x16180] =	vst v63  }
0x28: {  	_ =	swait.ge [sflag:s14], $0x2800  }
0x29: {  	s22 =	simm.s32 $0x14;
	s21 =	simm.s32 $0xA;
	[sflag:s14] =	ssyncset.done $0x0  }
.LBB2_2:
0x2a: {  	s23 =	sadd.s32 s21, s12  }
0x2b: {  	[sflag:s14] =	ssyncadd.s32 $0xFFFFD800;
	s24 =	smov.u32 s22;
	s25 =	sadd.s32 $0xA, s22  }
0x2c: {  	[tilespmem:s4], [sflag:$0x2] =	stream.linear.gather [hbm4b:s23+s4], $0x50, $0x38;
	[tilespmem:$0x16180] =	vst v63  }
0x2d: {  	p1 =	sne.s32 s22, $0x4D8;
	_ =	swait.ge [sflag:s14], $0x50  }
0x2e: {  	[sflag:s14] =	ssyncset.done $0x0  }
0x2f: {  	s22 =	sadd.s32 s21, s11;
	s21 =	smov.u32 s24;
	[sflag:s14] =	ssyncadd.s32 $0xFFFFFFB0  }
0x30: {  	[tilespmem:s16], [sflag:$0x2] =	stream.linear.gather [hbm4b:s22+s4], $0x50, $0x38;
	[tilespmem:$0x16180] =	vst v63  }
0x31: {  	_ =	swait.ge [sflag:s14], $0x50  }
0x32: {  	[sflag:s14] =	ssyncset.done $0x0  }
0x33: {  	[sflag:s14] =	ssyncadd.s32 $0xFFFFFFB0  }
0x34: {  	[tilespmem:s18], [sflag:$0x1] =	stream.indirect.gather [hbm4b:s1+s17], $0x80, s4, s17, $0xb8;
	[tilespmem:$0x16180] =	vst v63  }
0x35: {  	_ =	swait.ge [sflag:s19], $0x2800  }
.Ltmp0:
0x36: {  	[sflag:s19] =	ssyncset.done $0x0;
	(pc) =	sbr.rel @p1 .LBB2_2-.Ltmp0, $4  }
0x37: {  	[sflag:s19] =	ssyncadd.s32 $0xFFFFD800  }
0x38: {  	[spmem:s3] =	stream.indirect.scatter.add.f32 [tilespmem:s18], [sflag:$0x2], $0x80, s16, s17, $0xb8;
	[tilespmem:$0x16180] =	vst v63  }
0x39: {  	_ =	swait.ge [sflag:s14], $0x2800  }
0x3a: {  	s22 =	smov.u32 s25;
	[sflag:s14] =	ssyncset.done $0x0  }
0x3b: {  	s22 =	sadd.s32 s21, s12;
	[sflag:s14] =	ssyncadd.s32 $0xFFFFD800  }
0x3c: {  	[tilespmem:s4], [sflag:$0x2] =	stream.linear.gather [hbm4b:s22+s4], $0x50, $0x38;
	[tilespmem:$0x16180] =	vst v63  }
0x3d: {  	_ =	swait.ge [sflag:s14], $0x50  }
0x3e: {  	[sflag:s14] =	ssyncset.done $0x0  }
0x3f: {  	s31 =	sadd.s32 s21, s11;
	[sflag:s14] =	ssyncadd.s32 $0xFFFFFFB0  }
0x40: {  	[tilespmem:s16], [sflag:$0x2] =	stream.linear.gather [hbm4b:s31+s4], $0x50, $0x38;
	[tilespmem:$0x16180] =	vst v63  }
0x41: {  	_ =	swait.ge [sflag:s14], $0x50  }
0x42: {  	[sflag:s14] =	ssyncset.done $0x0  }
0x43: {  	[sflag:s14] =	ssyncadd.s32 $0xFFFFFFB0  }
0x44: {  	[tilespmem:s18], [sflag:$0x1] =	stream.indirect.gather [hbm4b:s1+s17], $0x80, s4, s17, $0xb8;
	[tilespmem:$0x16180] =	vst v63  }
0x45: {  	_ =	swait.ge [sflag:s19], $0x2800  }
0x46: {  	[sflag:s19] =	ssyncset.done $0x0  }
0x47: {  	[sflag:s19] =	ssyncadd.s32 $0xFFFFD800  }
0x48: {  	[spmem:s3] =	stream.indirect.scatter.add.f32 [tilespmem:s18], [sflag:$0x2], $0x80, s16, s17, $0xb8;
	[tilespmem:$0x16180] =	vst v63  }
0x49: {  	_ =	swait.ge [sflag:s14], $0x2800  }
0x4a: {  	[sflag:s14] =	ssyncset.done $0x0  }
0x4b: {  	[sflag:s14] =	ssyncadd.s32 $0xFFFFD800  }
0x4c: {  	[bflag:$0x0] =	sbarrier.arrive $0xFFFF  }
0x4d: {  	[hbm:s8], [sflag:s6] =	dma.local [spmem:s13], $0x2700  }
0x4e: {  	s20 =	sadd.s32 $0x1, s20;
	_ =	swait.ge [sflag:s14], $0x2700  }
0x4f: {  	p1 =	sne.s32 s20, s10;
	[sflag:s14] =	ssyncset.done $0x0  }
.Ltmp1:
0x50: {  	s21 =	simm.s32 @!p0 $0x2;
	[sflag:s14] =	ssyncadd.s32 $0xFFFFD900;
	(pc) =	sbr.rel @p1 .LBB2_1-.Ltmp1, $4  }
0x51: {  	[hbm:s9], [sflag:s6] =	dma.local @!p0 [spmem:s15], $0x100  }
0x52: {  	_ =	swait.ge @!p0 [sflag:s21], $0x100  }
0x53: {  	[sflag:s21] =	ssyncset.done @!p0 $0x0  }
0x54: {  	[sflag:s21] =	ssyncadd.s32 @!p0 $0xFFFFFF00  }
0x55: {  	_ =	sfence.sel $0x180000  }
0x56: {  	[bflag:$0x0] =	sbarrier.arrive $0xFFFF  }
0x57: {  	p0 =	sne.s32 s0, $0x0;
	_ =	strace $0x9000004D  }
0x58: {  	s0 =	sadd.s32 @!p0 $0x100000, s2;
	[bflag:$0x2] =	sbarrier.arrive $0xFFFF  }
0x59: {  	[sflag:s0] =	ssyncadd.tile.s32 @!p0 $0x1;
	_ =	shalt  }
.Lfunc_end2:
_tile_overlayer_lowered:
.L_overlay_start_2:
0x5a: {  	(tag) =	ssettag $0x2  }
0x5b: {  	s0 =	rddreg [dreg:$0x0];
	s2 =	stileid.u32  }
0x5c: {  	s1 =	rddreg [dreg:$0x1];
	p0 =	sne.s32 s2, $0x0  }
0x5d: {  	s3 =	rddreg [dreg:$0x2];
	[bflag:$0x3] =	sbarrier.arrive $0xFFFF;
	s2 =	simm.s32 @!p0 $0x1C02  }
0x5e: {  	[timem:s3], [sflag:s2] =	dma.local @!p0 [hbm:s0], s1  }
0x5f: {  	s0 =	simm.s32 @!p0 $0x2  }
0x60: {  	_ =	swait.ge @!p0 [sflag:s0], s1  }
0x61: {  	s1 =	ssub.s32 @!p0 $0x0, s1;
	[sflag:s0] =	ssyncset.done @!p0 $0x0  }
0x62: {  	[sflag:s0] =	ssyncadd.s32 @!p0 s1  }
0x63: {  	[bflag:$0x3] =	sbarrier.arrive $0xFFFF  }
0x64: {  	_ =	shalt  }

// kernel: kernel.8.cloned.1.call-start
scs
__scs_entry_jumppad:
0x0: {  	(pc) =	sbr.rel $0x88, $3  }
0x1: {  	(tag) =	ssettag $0x0;
	lr =	simm.s32 $0x1  }
0x2: {  	[smem:$0x3F9B] =	sst lr;
	_ =	strace $0xD0000000  }
0x3: {  	_ = 	snop  }
0x4: {  	_ = 	snop  }
0x5: {  	_ = 	snop  }
0x6: {  	_ = 	snop  }
0x7: {  	_ = 	snop  }
__scs_overlays_trampoline_lowered:
0x8: {  	[smem:$0x3FAA] =	sst s0  }
0x9: {  	[smem:$0x3FAB] =	sst s1  }
0xa: {  	[smem:$0x3FAC] =	sst s2  }
0xb: {  	[smem:$0x3FAD] =	sst s3  }
0xc: {  	[smem:$0x3FAE] =	sst s4  }
0xd: {  	[smem:$0x3FAF] =	sst s5  }
0xe: {  	[smem:$0x3FB0] =	sst s6  }
0xf: {  	[smem:$0x3FB1] =	sst s7  }
0x10: {  	[smem:$0x3FB2] =	sst s8  }
0x11: {  	[smem:$0x3FB3] =	sst s9;
	s0 =	simm.s32 @!p0 $0x0  }
0x12: {  	s1 =	sld [smem:$0x3F99];
	s0 =	simm.s32 @p0 $0x1  }
0x13: {  	[smem:$0x3FB4] =	sst s0;
	s0 =	simm.s32 @!p1 $0x0  }
0x14: {  	s2 =	sld [smem:$0x3F98];
	s0 =	simm.s32 @p1 $0x1  }
0x15: {  	[smem:$0x3FB5] =	sst s0;
	s0 =	simm.s32 @!p2 $0x0  }
0x16: {  	s3 =	sld [smem:$0x3FDB];
	s0 =	simm.s32 @p2 $0x1  }
0x17: {  	s4 =	simm.s32 $0x1BF5;
	[smem:$0x3FB7] =	sst s0  }
0x18: {  	s0 =	sld [smem:$0x3F9A];
	_ =	swait.ge [sflag:s4], $0x0  }
0x19: {  	s7 =	sld [smem:$0x3F9B]  }
0x1a: {  	s8 =	sadd.s32 $0xFFFFE003, lr  }
0x1b: {  	s9 =	sadd.s32 $0xFFFFFEF7, lr;
	s5 =	simm.s32 $0xFFFFFFFF;
	p2 =	slt.u32 s8, $0xFFFFF086  }
0x1c: {  	p1 =	slt.u32 s9, $0xF7A;
	s5 =	simm.s32 @!p2 $0x0  }
0x1d: {  	s5 =	simm.s32 @p1 $0x1;
	p0 =	seq.s32 s7, s2  }
0x1e: {  	s7 =	smul.u32 @!p0 $0xF7A, s2;
	p2 =	seq.s32 @!p0 s5, $0x0  }
0x1f: {  	s9 =	smul.u32 $0xF7A, s1;
	s8 =	simm.s32 @!p0 $0x1BF5;
	p2 =	por !p2, p0  }
0x20: {  	[sflag:s8] =	ssyncset.s32 @!p0 $0xFFFFF086;
	s6 =	sadd.s32 @!p0 s3, s7;
	s7 =	simm.s32 @!p0 $0x108  }
0x21: {  	s3 =	sadd.s32 s3, s9;
	s6 =	sadd.s32 @!p0 $0x88, s6;
	s7 =	simm.s32 @p2 $0x1082  }
0x22: {  	[simem:s7], [sflag:s8] =	dma.local @!p0 [hbm:s6], $0xF7A  }
0x23: {  	s9 =	sor.u32 $0xD0000000, s2;
	s6 =	simm.s32 $0x108;
	_ =	swait.ge @!p0 [sflag:s8], $0x0  }
0x24: {  	s3 =	sadd.s32 $0x88, s3;
	s6 =	simm.s32 @!p1 $0x1082;
	[sflag:s4] =	ssyncset.s32 $0xFFFFF086  }
0x25: {  	[simem:s6], [sflag:s4] =	dma.local [hbm:s3], $0xF7A  }
0x26: {  	[smem:$0x3F9B] =	sst s1;
	(tag) =	ssettag s2;
	_ =	strace s9  }
0x27: {  	s1 =	sld [smem:$0x3FAB]  }
0x28: {  	s2 =	sld [smem:$0x3FAC]  }
0x29: {  	s4 =	sld [smem:$0x3FAE]  }
0x2a: {  	p0 =	seq.s32 s5, $0x0;
	s5 =	sld [smem:$0x3FAF]  }
0x2b: {  	s6 =	sld [smem:$0x3FB0]  }
0x2c: {  	s7 =	sld [smem:$0x3FB1]  }
0x2d: {  	s3 =	simm.s32 $0x108;
	s8 =	sld [smem:$0x3FB2]  }
0x2e: {  	s3 =	simm.s32 @!p0 $0x1082;
	s9 =	sld [smem:$0x3FB3]  }
0x2f: {  	lr =	sadd.s32 s0, s3;
	s0 =	sld [smem:$0x3FAA]  }
0x30: {  	s3 =	sld [smem:$0x3FAD]  }
0x31: {  	[smem:$0x3FB6] =	sst s10  }
0x32: {  	s10 =	sld [smem:$0x3FB4];
	_ =	sdelay $0x3  }
0x33: {  	p0 =	seq.s32 s10, $0x1;
	s10 =	sld [smem:$0x3FB6];
	_ =	sdelay $0x3  }
0x34: {  	[smem:$0x3FB6] =	sst s10  }
0x35: {  	s10 =	sld [smem:$0x3FB5];
	_ =	sdelay $0x3  }
0x36: {  	p1 =	seq.s32 s10, $0x1;
	s10 =	sld [smem:$0x3FB6];
	_ =	sdelay $0x3  }
0x37: {  	[smem:$0x3FB6] =	sst s10  }
0x38: {  	s10 =	sld [smem:$0x3FB7]  }
0x39: {  	_ = 	snop;
	(pc) =	sbr.ind lr, $3  }
0x3a: {  	_ = 	snop  }
0x3b: {  	_ = 	snop  }
0x3c: {  	p2 =	seq.s32 s10, $0x1;
	s10 =	sld [smem:$0x3FB6]  }
0x3d: {  	_ =	shalt  }
0x3e: {  	_ =	shalt  }
0x3f: {  	_ =	shalt  }
0x40: {  	_ =	shalt  }
0x41: {  	_ =	shalt  }
0x42: {  	_ =	shalt  }
0x43: {  	_ =	shalt  }
0x44: {  	_ =	shalt  }
0x45: {  	_ =	shalt  }
0x46: {  	_ =	shalt  }
0x47: {  	_ =	shalt  }
0x48: {  	_ =	shalt  }
0x49: {  	_ =	shalt  }
0x4a: {  	_ =	shalt  }
0x4b: {  	_ =	shalt  }
0x4c: {  	_ =	shalt  }
0x4d: {  	_ =	shalt  }
0x4e: {  	_ =	shalt  }
0x4f: {  	_ =	shalt  }
0x50: {  	_ =	shalt  }
0x51: {  	_ =	shalt  }
0x52: {  	_ =	shalt  }
0x53: {  	_ =	shalt  }
0x54: {  	_ =	shalt  }
0x55: {  	_ =	shalt  }
0x56: {  	_ =	shalt  }
0x57: {  	_ =	shalt  }
0x58: {  	_ =	shalt  }
0x59: {  	_ =	shalt  }
0x5a: {  	_ =	shalt  }
0x5b: {  	_ =	shalt  }
0x5c: {  	_ =	shalt  }
0x5d: {  	_ =	shalt  }
0x5e: {  	_ =	shalt  }
0x5f: {  	_ =	shalt  }
0x60: {  	_ =	shalt  }
0x61: {  	_ =	shalt  }
0x62: {  	_ =	shalt  }
0x63: {  	_ =	shalt  }
0x64: {  	_ =	shalt  }
0x65: {  	_ =	shalt  }
0x66: {  	_ =	shalt  }
0x67: {  	_ =	shalt  }
0x68: {  	_ =	shalt  }
0x69: {  	_ =	shalt  }
0x6a: {  	_ =	shalt  }
0x6b: {  	_ =	shalt  }
0x6c: {  	_ =	shalt  }
0x6d: {  	_ =	shalt  }
0x6e: {  	_ =	shalt  }
0x6f: {  	_ =	shalt  }
0x70: {  	_ =	shalt  }
0x71: {  	_ =	shalt  }
0x72: {  	_ =	shalt  }
0x73: {  	_ =	shalt  }
0x74: {  	_ =	shalt  }
0x75: {  	_ =	shalt  }
0x76: {  	_ =	shalt  }
0x77: {  	_ =	shalt  }
0x78: {  	_ =	shalt  }
0x79: {  	_ =	shalt  }
0x7a: {  	_ =	shalt  }
0x7b: {  	_ =	shalt  }
0x7c: {  	_ =	shalt  }
0x7d: {  	_ =	shalt  }
0x7e: {  	_ =	shalt  }
0x7f: {  	_ =	shalt  }
0x80: {  	_ =	shalt  }
0x81: {  	_ =	shalt  }
0x82: {  	_ =	shalt  }
0x83: {  	_ =	shalt  }
0x84: {  	_ =	shalt  }
0x85: {  	_ =	shalt  }
0x86: {  	_ =	shalt  }
0x87: {  	_ =	shalt  }
.Lfunc_end0:
.L_simem_size_0:
called_computation_lowered:
.L_overlay_start_0:
0x88: {  	s2 =	sld [smem:$0x3FD9]  }
0x89: {  	s3 =	sld [smem:$0x3FFE];
	_ =	sdelay $0x1  }
0x8a: {  	s1 =	srdreg.scid  }
0x8b: {  	s0 =	sand.u32 $0x1, s1  }
0x8c: {  	s17 =	sshll.u32 s0, $0xA;
	s2 =	sadd.s32 s3, s2  }
0x8d: {  	s2 =	sadd.s32 s2, s17  }
0x8e: {  	[smem:$0x3FC2] =	sst s2  }
0x8f: {  	_ = 	snop  }
0x90: {  	s2 =	sld [smem:$0x3FD0];
	(tm) =	ssettm $0x1  }
0x91: {  	s18 =	sld [smem:$0x3FFB];
	_ =	sdelay $0x3  }
0x92: {  	_ =	strace s18  }
0x93: {  	s3 =	sld [smem:$0x3FFC];
	_ =	sdelay $0x3  }
0x94: {  	_ =	strace s3  }
0x95: {  	s3 =	sld [smem:$0x3FFD];
	_ =	sdelay $0x3  }
0x96: {  	_ =	strace s3  }
0x97: {  	_ =	strace $0x8FFFFFFF  }
0x98: {  	s19 =	sld [smem:$0x3FDB];
	_ =	sdelay $0x1  }
0x99: {  	s4 =	simm.s32 $_scs_section_size  }
0x9a: {  	s5 =	simm.s32 $_size__tile_overlayer_lowered;
	s6 =	simm.s32 $_tile_overlayer_lowered  }
0x9b: {  	s22 =	simm.s32 $0x1BFF;
	s21 =	sshll.u32 s6, $0x1;
	s3 =	sadd.s32 s4, s19  }
0x9c: {  	s7 =	simm.s32 $0x0;
	s20 =	sshll.u32 s5, $0x1;
	s5 =	sadd.s32 s21, s3  }
0x9d: {  	[timem:s7], [sflag:s22] =	dma.local [hbm:s5], s20  }
0x9e: {  	_ =	swait.ge [sflag:s22], s20  }
0x9f: {  	s4 =	ssub.s32 $0x0, s20;
	[sflag:s22] =	ssyncset.done $0x0  }
0xa0: {  	[sflag:s22] =	ssyncadd.s32 s4;
	_ =	sdelay $0x1  }
0xa1: {  	s23 =	simm.s32 $0x1B8B  }
0xa2: {  	_ =	swait.ge [sflag:s23], $0x1  }
0xa3: {  	[sflag:s23] =	ssyncset.done $0x0  }
0xa4: {  	s25 =	simm.s32 $0x1B8E;
	s24 =	sld [smem:$0x3FFE];
	[sflag:s23] =	ssyncadd.s32 $0xFFFFFFFF  }
0xa5: {  	s26 =	simm.s32 $execute0_lowered;
	[smem:$0x3FD2] =	sst s25  }
0xa6: {  	s5 =	sshll.u32 s26, $0x1;
	_ =	strace $0x80000046;
	[dreg:$0x1] =	wrdreg $0xFFFFFFFF  }
0xa7: {  	s28 =	simm.s32 $_size_execute0_lowered;
	s3 =	sadd.s32 s3, s5;
	[dreg:$0x0] =	wrdreg $0x0  }
0xa8: {  	s5 =	sshll.u32 s28, $0x1;
	[dreg:$0x2] =	wrdreg s3  }
0xa9: {  	[dreg:$0x3] =	wrdreg s5  }
0xaa: {  	[dreg:$0x4] =	wrdreg $0xC0  }
0xab: {  	_ =	task [dreg:s7], $0x5FFFF  }
0xac: {  	[dreg:$0x1] =	wrdreg $0xFFFFFFFF  }
0xad: {  	[dreg:$0x0] =	wrdreg $0x60  }
0xae: {  	[dreg:$0x2] =	wrdreg s24  }
0xaf: {  	[dreg:$0x3] =	wrdreg s2  }
0xb0: {  	[dreg:$0x4] =	wrdreg $0x1000  }
0xb1: {  	[dreg:$0x5] =	wrdreg $0x9  }
0xb2: {  	_ =	task.clear_ibuf [dreg:s7], $0x6FFFF;
	_ =	strace $0x90000046  }
0xb3: {  	s29 =	simm.s32 $0x9;
	_ =	strace $0x80000048  }
0xb4: {  	_ =	swait.ge [sflag:s29], $0x1  }
0xb5: {  	[sflag:s29] =	ssyncadd.s32 $0xFFFFFFFF  }
0xb6: {  	_ =	strace $0x90000048  }
0xb7: {  	_ =	sfence  }
0xb8: {  	s30 =	sld [smem:$0x0];
	_ =	sdelay $0x2  }
0xb9: {  	s31 =	sshll.u32 s1, $0xD;
	s1 =	sshrl.u32 s1, $0x2  }
0xba: {  	s3 =	sand.u32 $0x4000, s31;
	s1 =	sadd.s32 s1, s30  }
0xbb: {  	s0 =	sor.u32 s3, s0;
	s1 =	sshll.u32 s1, $0x11  }
0xbc: {  	s0 =	sor.u32 s1, s0  }
0xbd: {  	s0 =	sadd.s32 $0x8F2B, s0  }
0xbe: {  	[sflag:s0] =	ssyncadd.remote.s32 $0x1  }
0xbf: {  	_ =	sfence.sel $0xFFFF  }
0xc0: {  	[dreg:$0x0] =	wrdreg $0xFFFFFFFF;
	(pc) =	sbr.abs _section_cstart, $3  }
0xc1: {  	[dreg:$0x1] =	wrdreg $0xFFFFFFFF  }
0xc2: {  	_ =	task.clear_ibuf [dreg:s7], $0x2FFFF;
	_ =	strace $0x9FFFFFFF  }
0xc3: {  	(tm) =	ssettm $0x7FFFFFFF  }
tec
execute0_lowered:
.L_overlay_start_1:
0x0: {  	(tag) =	ssettag $0x1  }
0x1: {  	s4 =	rddreg [dreg:$0x0]  }
0x2: {  	s6 =	rddreg [dreg:$0x1]  }
0x3: {  	s0 =	srdreg.scid;
	s2 =	rddreg [dreg:$0x2]  }
0x4: {  	s1 =	rddreg [dreg:$0x3];
	s5 =	sand.u32 $0x1, s0  }
0x5: {  	s3 =	simm.s32 $0x0;
	s0 =	stileid.u32;
	s7 =	smul.u32 $0x27100, s5  }
0x6: {  	s13 =	simm.s32 $0x20;
	s14 =	simm.s32 $0x10;
	s8 =	smul.u32 $0x2710, s0  }
0x7: {  	s15 =	simm.s32 $0x0;
	[smem:$0x7FF] =	sst s3;
	s26 =	smul.u32 $0x280, s0  }
0x8: {  	_ =	strace $0x80000047;
	s28 =	ssub.s32 $0x2, s5;
	s10 =	smul.u32 $0x500, s0  }
0x9: {  	s5 =	sshll.u32 s5, $0x7;
	s30 =	sshll.u32 s0, $0x6;
	s12 =	sshrl.u32 s28, $0x1  }
0xa: {  	s7 =	sadd.s32 s8, s7;
	s11 =	sshrl.u32 s26, $0x3;
	s5 =	sor.u32 s5, s10  }
0xb: {  	s29 =	sadd.s32 s26, s2;
	s10 =	simm.s32 $0x1;
	s7 =	sshrl.u32 s7, $0x3  }
0xc: {  	s31 =	sshrl.u32 s5, $0x3;
	s5 =	sor.u32 $0x1C01, s30;
	s9 =	sadd.s32 s7, s4  }
0xd: {  	s4 =	sadd.s32 s11, s4;
	s7 =	ssub.s32 s28, s12;
	s6 =	sadd.s32 s6, s31  }
0xe: {  	s11 =	simm.s32 $0x50;
	s12 =	simm.s32 $0x80;
	s4 =	sadd.s32 $0x15C00, s4  }
0xf: {  	v0 =	vimm.f32 $1.000000000e+00;
	s7 =	smax.u32 s7, $0x1;
	s8 =	sadd.s32 $0xBE00, s9;
	s9 =	sshrl.u32 s29, $0x3  }
.LBB2_1:
0x10: {  	[tilespmem:$0x80] =	vst v0  }
0x11: {  	[tilespmem:$0x90] =	vst v0  }
0x12: {  	[tilespmem:$0xA0] =	vst v0  }
0x13: {  	[tilespmem:$0xB0] =	vst v0  }
0x14: {  	[tilespmem:$0xC0] =	vst v0  }
0x15: {  	[spmem:s9], [sflag:s5] =	dma.local [hbm:s4], $0x50  }
0x16: {  	_ =	swait.ge [sflag:s10], $0x50  }
0x17: {  	[sflag:s10] =	ssyncset.done $0x0  }
0x18: {  	[sflag:s10] =	ssyncadd.s32 $0xFFFFFFB0  }
0x19: {  	s16 =	sadd.s32 $0x0, s8;
	[bflag:$0x0] =	sbarrier.arrive $0xFFFF  }
0x1a: {  	[tilespmem:s3], [sflag:$0x1] =	stream.linear.gather [hbm4b:s16+s3], $0x50, $0x38;
	[tilespmem:$0x380] =	vst v63  }
0x1b: {  	_ =	swait.ge [sflag:s10], $0x50  }
0x1c: {  	[sflag:s10] =	ssyncset.done $0x0  }
0x1d: {  	[sflag:s10] =	ssyncadd.s32 $0xFFFFFFB0  }
0x1e: {  	[spmem:s2] =	stream.indirect.scatter.add.f32 [tilespmem:s12], [sflag:$0x1], $0x1, s3, s11, $0xb8;
	[tilespmem:$0x380] =	vst v63  }
0x1f: {  	_ =	swait.ge [sflag:s10], $0x50  }
0x20: {  	s17 =	simm.s32 $0x14;
	s16 =	simm.s32 $0xA;
	[sflag:s10] =	ssyncset.done $0x0  }
.LBB2_2:
0x21: {  	s18 =	sadd.s32 s16, s8  }
0x22: {  	[sflag:s10] =	ssyncadd.s32 $0xFFFFFFB0;
	s16 =	smov.u32 s17;
	s19 =	sadd.s32 $0xA, s17  }
0x23: {  	[tilespmem:s3], [sflag:$0x1] =	stream.linear.gather [hbm4b:s18+s3], $0x50, $0x38;
	[tilespmem:$0x380] =	vst v63  }
0x24: {  	p0 =	sne.s32 s17, $0x4D8;
	_ =	swait.ge [sflag:s10], $0x50  }
.Ltmp0:
0x25: {  	[sflag:s10] =	ssyncset.done $0x0;
	(pc) =	sbr.rel @p0 .LBB2_2-.Ltmp0, $4  }
0x26: {  	[sflag:s10] =	ssyncadd.s32 $0xFFFFFFB0  }
0x27: {  	[spmem:s2] =	stream.indirect.scatter.add.f32 [tilespmem:s12], [sflag:$0x1], $0x1, s3, s11, $0xb8;
	[tilespmem:$0x380] =	vst v63  }
0x28: {  	_ =	swait.ge [sflag:s10], $0x50  }
0x29: {  	s17 =	smov.u32 s19;
	[sflag:s10] =	ssyncset.done $0x0  }
0x2a: {  	s16 =	sadd.s32 s16, s8;
	[sflag:s10] =	ssyncadd.s32 $0xFFFFFFB0  }
0x2b: {  	[tilespmem:s3], [sflag:$0x1] =	stream.linear.gather [hbm4b:s16+s3], $0x50, $0x38;
	[tilespmem:$0x380] =	vst v63  }
0x2c: {  	_ =	swait.ge [sflag:s10], $0x50  }
0x2d: {  	[sflag:s10] =	ssyncset.done $0x0  }
0x2e: {  	[sflag:s10] =	ssyncadd.s32 $0xFFFFFFB0  }
0x2f: {  	[spmem:s2] =	stream.indirect.scatter.add.f32 [tilespmem:s12], [sflag:$0x1], $0x1, s3, s11, $0xb8;
	[tilespmem:$0x380] =	vst v63  }
0x30: {  	_ =	swait.ge [sflag:s10], $0x50  }
0x31: {  	s15 =	sadd.s32 $0x1, s15;
	[sflag:s10] =	ssyncset.done $0x0  }
0x32: {  	p0 =	sne.s32 s15, s7;
	[sflag:s10] =	ssyncadd.s32 $0xFFFFFFB0  }
.Ltmp1:
0x33: {  	[bflag:$0x0] =	sbarrier.arrive $0xFFFF;
	(pc) =	sbr.rel @p0 .LBB2_1-.Ltmp1, $4  }
0x34: {  	[hbm:s6@s13], [sflag:s5] =	dma.strided [spmem:s9@s14], $0x50, s10, $0x10   }
0x35: {  	_ =	swait.ge [sflag:s10], $0x50  }
0x36: {  	[sflag:s10] =	ssyncset.done $0x0  }
0x37: {  	[sflag:s10] =	ssyncadd.s32 $0xFFFFFFB0  }
0x38: {  	_ =	sfence.sel $0x180000  }
0x39: {  	[bflag:$0x0] =	sbarrier.arrive $0xFFFF  }
0x3a: {  	p0 =	sne.s32 s0, $0x0;
	_ =	strace $0x90000047  }
0x3b: {  	s0 =	sadd.s32 @!p0 $0x100000, s1;
	[bflag:$0x2] =	sbarrier.arrive $0xFFFF  }
0x3c: {  	[sflag:s0] =	ssyncadd.tile.s32 @!p0 $0x1;
	_ =	shalt  }
.Lfunc_end2:
_tile_overlayer_lowered:
.L_overlay_start_2:
0x3d: {  	(tag) =	ssettag $0x2  }
0x3e: {  	s0 =	rddreg [dreg:$0x0];
	s2 =	stileid.u32  }
0x3f: {  	s1 =	rddreg [dreg:$0x1];
	p0 =	sne.s32 s2, $0x0  }
0x40: {  	s3 =	rddreg [dreg:$0x2];
	[bflag:$0x3] =	sbarrier.arrive $0xFFFF;
	s2 =	simm.s32 @!p0 $0x1C01  }
0x41: {  	[timem:s3], [sflag:s2] =	dma.local @!p0 [hbm:s0], s1  }
0x42: {  	s0 =	simm.s32 @!p0 $0x1  }
0x43: {  	_ =	swait.ge @!p0 [sflag:s0], s1  }
0x44: {  	s1 =	ssub.s32 @!p0 $0x0, s1;
	[sflag:s0] =	ssyncset.done @!p0 $0x0  }
0x45: {  	[sflag:s0] =	ssyncadd.s32 @!p0 s1  }
0x46: {  	[bflag:$0x3] =	sbarrier.arrive $0xFFFF  }
0x47: {  	_ =	shalt  }

</sc_bundles>
